<compile_context>
chip_gen: v7x
topology: tpu7x:2x2x1
jax: 0.10.2.dev20260603
libtpu: 0.0.44.dev20260713+nightly
codegen_flags: <defaults>
</compile_context>

<pallas_src>
import functools

import jax
import jax.numpy as jnp
from jax import lax
from jax.experimental import pallas as pl
from jax.experimental.pallas import tpu as pltpu
from jax.experimental.pallas import tpu_sc as plsc

B, F, L, D = 1024, 26, 50, 32
G = B * F
NW = 32
GPW = G // NW
CG = 2
IPC = CG * L
NCHUNK = GPW // CG
NBUF = 4
BPW = B // NW
CPB = F // CG

_mesh = plsc.VectorSubcoreMesh(core_axis_name="c", subcore_axis_name="s")


@functools.partial(
    pl.kernel,
    out_type=jax.ShapeDtypeStruct((B, F, D, L), jnp.float32),
    mesh=_mesh,
    scratch_types=[
        pltpu.VMEM((NCHUNK, IPC), jnp.int32),
        pltpu.VMEM((NBUF, IPC, D), jnp.float32),
        pltpu.VMEM((NBUF, CG, D, L), jnp.float32),
    ]
    + [pltpu.SemaphoreType.DMA] * (2 * NBUF),
    compiler_params=pltpu.CompilerParams(
        needs_layout_passes=False, use_tc_tiling_on_sc=False
    ),
)
def _emb_lookup(idx_hbm, table_hbm, out_hbm, idx_v, rows_v, out_v, *sems):
    sem_g = sems[:NBUF]
    sem_w = sems[NBUF:]
    sid = lax.axis_index("s")
    wid = sid * 2 + lax.axis_index("c")
    iota16 = lax.iota(jnp.int32, 16)

    def out_slice(c):
        b0 = wid * BPW + c // CPB
        f0 = (c % CPB) * CG
        return out_hbm.at[b0, pl.ds(f0, CG)]

    pltpu.sync_copy(idx_hbm.at[pl.ds(wid * NCHUNK, NCHUNK)], idx_v)

    def fire_gather(c, b):
        pltpu.async_copy(table_hbm.at[idx_v.at[c]], rows_v.at[b], sem_g[b])

    for b in range(NBUF):
        fire_gather(b, b)

    def ring_body(p, _):
        for b in range(NBUF):
            c = p * NBUF + b
            rv = rows_v.at[b]
            ov = out_v.at[b]

            pltpu.make_async_copy(table_hbm.at[idx_v.at[c]], rv, sem_g[b]).wait()

            @pl.when(p > 0)
            def _():
                pltpu.make_async_copy(ov, out_slice(c - NBUF), sem_w[b]).wait()

            def row_body(l, _):
                ol = jnp.full((16,), l, dtype=jnp.int32)
                for g in range(CG):
                    r = g * L + l
                    og = jnp.full((16,), g, dtype=jnp.int32)
                    v0 = rv[r, pl.ds(0, 16)]
                    v1 = rv[r, pl.ds(16, 16)]
                    plsc.store_scatter(ov, [og, iota16, ol], v0)
                    plsc.store_scatter(ov, [og, iota16 + 16, ol], v1)
                return 0

            lax.fori_loop(0, L, row_body, 0, unroll=2)

            @pl.when(c + NBUF < NCHUNK)
            def _():
                fire_gather(c + NBUF, b)

            pltpu.async_copy(ov, out_slice(c), sem_w[b])
        return 0

    lax.fori_loop(0, NCHUNK // NBUF, ring_body, 0)

    for b in range(NBUF):
        c = NCHUNK - NBUF + b
        pltpu.make_async_copy(out_v.at[b], out_slice(c), sem_w[b]).wait()


def kernel(inputs, table):
    idx = inputs.reshape(G // CG, IPC).astype(jnp.int32)
    return _emb_lookup(idx, table)

# --- scband reference (transcript-rebuilt; emitter-appended) ---
"""Pipeline reference for scband-text-embedding-89678917141350 (READ-ONLY COPY).

The authoritative reference and input builder live on the scoring server;
editing this copy changes nothing except your own understanding.
"""

import jax, jax.numpy as jnp
import numpy as np

MAX_FEATURES = 1000000
EMBEDDING_DIMS = 32

def setup_inputs(seed: int = 0) -> dict:
    key = jax.random.key(seed)
    k_idx, k_tab = jax.random.split(key)
    inputs = jax.random.randint(k_idx, (1024, 26, 50), 0, MAX_FEATURES, dtype=jnp.int64 if jax.config.jax_enable_x64 else jnp.int32)
    table = jax.random.normal(k_tab, (MAX_FEATURES, EMBEDDING_DIMS), dtype=jnp.float32) * 0.05
    return {"inputs": inputs, "table": table}

def reference(inputs, table):
    # Embedding lookup: [B, F, L] -> [B, F, L, D]
    emb = jnp.take(table, inputs, axis=0)
    # transpose [0, 1, 3, 2]: [B, F, L, D] -> [B, F, D, L]
    emb = jnp.transpose(emb, (0, 1, 3, 2))
    return emb

if __name__ == "__main__":
    import jax
    _d = setup_inputs()
    print(jax.jit(kernel)(*tuple(_d.values())))

</pallas_src>

<mosaic_0001>
#map = affine_map<(d0, d1) -> (0, 0)>
#map1 = affine_map<(d0, d1) -> (0, 0, 0, 0)>
module attributes {stable_mosaic.version = 14 : i64} {
  func.func @_emb_lookup(%arg0: i32, %arg1: i32, %arg2: memref<13312x100xi32, #tpu.memory_space<hbm>>, %arg3: memref<1000000x32xf32, #tpu.memory_space<hbm>>, %arg4: memref<1024x26x32x50xf32, #tpu.memory_space<hbm>>, %arg5: memref<416x100xi32, #tpu.memory_space<vmem>>, %arg6: memref<4x100x32xf32, #tpu.memory_space<vmem>>, %arg7: memref<4x2x32x50xf32, #tpu.memory_space<vmem>>, %arg8: memref<!tpu.dma_semaphore, #tpu.memory_space<semaphore_mem>>, %arg9: memref<!tpu.dma_semaphore, #tpu.memory_space<semaphore_mem>>, %arg10: memref<!tpu.dma_semaphore, #tpu.memory_space<semaphore_mem>>, %arg11: memref<!tpu.dma_semaphore, #tpu.memory_space<semaphore_mem>>, %arg12: memref<!tpu.dma_semaphore, #tpu.memory_space<semaphore_mem>>, %arg13: memref<!tpu.dma_semaphore, #tpu.memory_space<semaphore_mem>>, %arg14: memref<!tpu.dma_semaphore, #tpu.memory_space<semaphore_mem>>, %arg15: memref<!tpu.dma_semaphore, #tpu.memory_space<semaphore_mem>>) attributes {dimension_semantics = [#tpu.dimension_semantics<core_parallel>, #tpu.dimension_semantics<subcore_parallel>], iteration_bounds = array<i64: 2, 16>, scalar_prefetch = 0 : i64, scratch_operands = 11 : i64, tpu.core_type = #tpu.core_type<sc_vector_subcore>, window_params = [{transform_indices = #map}, {transform_indices = #map}, {transform_indices = #map1}]} {
    %mul3A = arith.constant 2 : i32
    %mul3A_0 = arith.muli %arg1, %mul3A : i32
    %add3A = arith.addi %mul3A_0, %arg0 : i32
    %iota3A = tpu.iota {dimensions = array<i32: 0>} : vector<16xi32>
    %mul3A_1 = arith.constant 416 : i32
    %mul3A_2 = arith.muli %add3A, %mul3A_1 : i32
    "tpu.region"() ({
      %run_scoped3A = tpu.sem_alloc : memref<!tpu.dma_semaphore, #tpu.memory_space<semaphore_mem>>
      %dma_start3A_155 = arith.constant 0 : i32
      %dma_start3A_156 = tpu.memref_slice %arg2[%mul3A_2, %dma_start3A_155] : memref<13312x100xi32, #tpu.memory_space<hbm>> -> memref<416x100xi32, #tpu.memory_space<hbm>>
      %dma_start3A_157 = arith.constant 0 : i32
      %dma_start3A_158 = tpu.memref_slice %arg2[%mul3A_2, %dma_start3A_157] : memref<13312x100xi32, #tpu.memory_space<hbm>> -> memref<416x100xi32, #tpu.memory_space<hbm>>
      tpu.enqueue_dma source(%dma_start3A_158 : memref<416x100xi32, #tpu.memory_space<hbm>>) target(%arg5 : memref<416x100xi32, #tpu.memory_space<vmem>>) target_semaphore(%run_scoped3A : memref<!tpu.dma_semaphore, #tpu.memory_space<semaphore_mem>>)
      %dma_wait3A_159 = arith.constant 0 : i32
      %dma_wait3A_160 = tpu.memref_slice %arg2[%mul3A_2, %dma_wait3A_159] : memref<13312x100xi32, #tpu.memory_space<hbm>> -> memref<416x100xi32, #tpu.memory_space<hbm>>
      %dma_wait3A_161 = arith.constant 0 : i32
      %dma_wait3A_162 = tpu.memref_slice %arg2[%mul3A_2, %dma_wait3A_161] : memref<13312x100xi32, #tpu.memory_space<hbm>> -> memref<416x100xi32, #tpu.memory_space<hbm>>
      tpu.wait_dma2 semaphore(%run_scoped3A : memref<!tpu.dma_semaphore, #tpu.memory_space<semaphore_mem>>) src(%dma_wait3A_162 : memref<416x100xi32, #tpu.memory_space<hbm>>) dst(%arg5 : memref<416x100xi32, #tpu.memory_space<vmem>>)
      tpu.yield
    }) : () -> ()
    %dma_start3A = arith.constant 0 : i32
    %dma_start3A_3 = arith.constant 0 : i32
    %dma_start3A_4 = arith.constant 0 : i32
    %dma_start3A_5 = arith.constant 0 : i32
    %dma_start3A_6 = tpu.memref_slice %arg6[%dma_start3A_3, %dma_start3A_4, %dma_start3A_5] : memref<4x100x32xf32, #tpu.memory_space<vmem>> -> memref<1x100x32xf32, #tpu.memory_space<vmem>>
    %dma_start3A_7 = tpu.memref_squeeze %dma_start3A_6 : memref<1x100x32xf32, #tpu.memory_space<vmem>> -> memref<100x32xf32, #tpu.memory_space<vmem>>
    %dma_start3A_8 = arith.constant 0 : i32
    %dma_start3A_9 = tpu.memref_slice %arg5[%dma_start3A, %dma_start3A_8] : memref<416x100xi32, #tpu.memory_space<vmem>> -> memref<1x100xi32, #tpu.memory_space<vmem>>
    %dma_start3A_10 = tpu.memref_squeeze %dma_start3A_9 : memref<1x100xi32, #tpu.memory_space<vmem>> -> memref<100xi32, #tpu.memory_space<vmem>>
    %dma_start3A_11 = arith.constant 0 : i32
    %dma_start3A_12 = arith.constant 0 : i32
    %dma_start3A_13 = tpu.memref_slice %arg3[%dma_start3A_11, %dma_start3A_12] : memref<1000000x32xf32, #tpu.memory_space<hbm>> -> memref<1000000x32xf32, #tpu.memory_space<hbm>>
    tpu.enqueue_indirect_dma source(%dma_start3A_13 : memref<1000000x32xf32, #tpu.memory_space<hbm>>) target(%dma_start3A_7 : memref<100x32xf32, #tpu.memory_space<vmem>>) offsets(%dma_start3A_10 : memref<100xi32, #tpu.memory_space<vmem>>) semaphore(%arg8 : memref<!tpu.dma_semaphore, #tpu.memory_space<semaphore_mem>>)
    %dma_start3A_14 = arith.constant 1 : i32
    %dma_start3A_15 = arith.constant 1 : i32
    %dma_start3A_16 = arith.constant 0 : i32
    %dma_start3A_17 = arith.constant 0 : i32
    %dma_start3A_18 = tpu.memref_slice %arg6[%dma_start3A_15, %dma_start3A_16, %dma_start3A_17] : memref<4x100x32xf32, #tpu.memory_space<vmem>> -> memref<1x100x32xf32, #tpu.memory_space<vmem>>
    %dma_start3A_19 = tpu.memref_squeeze %dma_start3A_18 : memref<1x100x32xf32, #tpu.memory_space<vmem>> -> memref<100x32xf32, #tpu.memory_space<vmem>>
    %dma_start3A_20 = arith.constant 0 : i32
    %dma_start3A_21 = tpu.memref_slice %arg5[%dma_start3A_14, %dma_start3A_20] : memref<416x100xi32, #tpu.memory_space<vmem>> -> memref<1x100xi32, #tpu.memory_space<vmem>>
    %dma_start3A_22 = tpu.memref_squeeze %dma_start3A_21 : memref<1x100xi32, #tpu.memory_space<vmem>> -> memref<100xi32, #tpu.memory_space<vmem>>
    %dma_start3A_23 = arith.constant 0 : i32
    %dma_start3A_24 = arith.constant 0 : i32
    %dma_start3A_25 = tpu.memref_slice %arg3[%dma_start3A_23, %dma_start3A_24] : memref<1000000x32xf32, #tpu.memory_space<hbm>> -> memref<1000000x32xf32, #tpu.memory_space<hbm>>
    tpu.enqueue_indirect_dma source(%dma_start3A_25 : memref<1000000x32xf32, #tpu.memory_space<hbm>>) target(%dma_start3A_19 : memref<100x32xf32, #tpu.memory_space<vmem>>) offsets(%dma_start3A_22 : memref<100xi32, #tpu.memory_space<vmem>>) semaphore(%arg9 : memref<!tpu.dma_semaphore, #tpu.memory_space<semaphore_mem>>)
    %dma_start3A_26 = arith.constant 2 : i32
    %dma_start3A_27 = arith.constant 2 : i32
    %dma_start3A_28 = arith.constant 0 : i32
    %dma_start3A_29 = arith.constant 0 : i32
    %dma_start3A_30 = tpu.memref_slice %arg6[%dma_start3A_27, %dma_start3A_28, %dma_start3A_29] : memref<4x100x32xf32, #tpu.memory_space<vmem>> -> memref<1x100x32xf32, #tpu.memory_space<vmem>>
    %dma_start3A_31 = tpu.memref_squeeze %dma_start3A_30 : memref<1x100x32xf32, #tpu.memory_space<vmem>> -> memref<100x32xf32, #tpu.memory_space<vmem>>
    %dma_start3A_32 = arith.constant 0 : i32
    %dma_start3A_33 = tpu.memref_slice %arg5[%dma_start3A_26, %dma_start3A_32] : memref<416x100xi32, #tpu.memory_space<vmem>> -> memref<1x100xi32, #tpu.memory_space<vmem>>
    %dma_start3A_34 = tpu.memref_squeeze %dma_start3A_33 : memref<1x100xi32, #tpu.memory_space<vmem>> -> memref<100xi32, #tpu.memory_space<vmem>>
    %dma_start3A_35 = arith.constant 0 : i32
    %dma_start3A_36 = arith.constant 0 : i32
    %dma_start3A_37 = tpu.memref_slice %arg3[%dma_start3A_35, %dma_start3A_36] : memref<1000000x32xf32, #tpu.memory_space<hbm>> -> memref<1000000x32xf32, #tpu.memory_space<hbm>>
    tpu.enqueue_indirect_dma source(%dma_start3A_37 : memref<1000000x32xf32, #tpu.memory_space<hbm>>) target(%dma_start3A_31 : memref<100x32xf32, #tpu.memory_space<vmem>>) offsets(%dma_start3A_34 : memref<100xi32, #tpu.memory_space<vmem>>) semaphore(%arg10 : memref<!tpu.dma_semaphore, #tpu.memory_space<semaphore_mem>>)
    %dma_start3A_38 = arith.constant 3 : i32
    %dma_start3A_39 = arith.constant 3 : i32
    %dma_start3A_40 = arith.constant 0 : i32
    %dma_start3A_41 = arith.constant 0 : i32
    %dma_start3A_42 = tpu.memref_slice %arg6[%dma_start3A_39, %dma_start3A_40, %dma_start3A_41] : memref<4x100x32xf32, #tpu.memory_space<vmem>> -> memref<1x100x32xf32, #tpu.memory_space<vmem>>
    %dma_start3A_43 = tpu.memref_squeeze %dma_start3A_42 : memref<1x100x32xf32, #tpu.memory_space<vmem>> -> memref<100x32xf32, #tpu.memory_space<vmem>>
    %dma_start3A_44 = arith.constant 0 : i32
    %dma_start3A_45 = tpu.memref_slice %arg5[%dma_start3A_38, %dma_start3A_44] : memref<416x100xi32, #tpu.memory_space<vmem>> -> memref<1x100xi32, #tpu.memory_space<vmem>>
    %dma_start3A_46 = tpu.memref_squeeze %dma_start3A_45 : memref<1x100xi32, #tpu.memory_space<vmem>> -> memref<100xi32, #tpu.memory_space<vmem>>
    %dma_start3A_47 = arith.constant 0 : i32
    %dma_start3A_48 = arith.constant 0 : i32
    %dma_start3A_49 = tpu.memref_slice %arg3[%dma_start3A_47, %dma_start3A_48] : memref<1000000x32xf32, #tpu.memory_space<hbm>> -> memref<1000000x32xf32, #tpu.memory_space<hbm>>
    tpu.enqueue_indirect_dma source(%dma_start3A_49 : memref<1000000x32xf32, #tpu.memory_space<hbm>>) target(%dma_start3A_43 : memref<100x32xf32, #tpu.memory_space<vmem>>) offsets(%dma_start3A_46 : memref<100xi32, #tpu.memory_space<vmem>>) semaphore(%arg11 : memref<!tpu.dma_semaphore, #tpu.memory_space<semaphore_mem>>)
    %scan3A = arith.constant 0 : i32
    %scan3A_50 = arith.constant 0 : i32
    %scan3A_51 = arith.constant 104 : i32
    %scan3A_52 = arith.addi %scan3A_50, %scan3A_51 : i32
    %scan3A_53 = arith.constant 1 : i32
    %scan3A_54 = scf.for %scan3A_155 = %scan3A_50 to %scan3A_52 step %scan3A_53 iter_args(%scan3A_156 = %scan3A) -> (i32)  : i32 {
      %mul3A_157 = arith.constant 4 : i32
      %mul3A_158 = arith.muli %scan3A_155, %mul3A_157 : i32
      %add3A_159 = arith.constant 0 : i32
      %add3A_160 = arith.addi %mul3A_158, %add3A_159 : i32
      %dma_wait3A_161 = arith.constant 0 : i32
      %dma_wait3A_162 = arith.constant 0 : i32
      %dma_wait3A_163 = arith.constant 0 : i32
      %dma_wait3A_164 = tpu.memref_slice %arg6[%dma_wait3A_161, %dma_wait3A_162, %dma_wait3A_163] : memref<4x100x32xf32, #tpu.memory_space<vmem>> -> memref<1x100x32xf32, #tpu.memory_space<vmem>>
      %dma_wait3A_165 = tpu.memref_squeeze %dma_wait3A_164 : memref<1x100x32xf32, #tpu.memory_space<vmem>> -> memref<100x32xf32, #tpu.memory_space<vmem>>
      %dma_wait3A_166 = arith.constant 0 : i32
      %dma_wait3A_167 = tpu.memref_slice %arg5[%add3A_160, %dma_wait3A_166] : memref<416x100xi32, #tpu.memory_space<vmem>> -> memref<1x100xi32, #tpu.memory_space<vmem>>
      %dma_wait3A_168 = tpu.memref_squeeze %dma_wait3A_167 : memref<1x100xi32, #tpu.memory_space<vmem>> -> memref<100xi32, #tpu.memory_space<vmem>>
      %dma_wait3A_169 = arith.constant 0 : i32
      %dma_wait3A_170 = arith.constant 0 : i32
      %dma_wait3A_171 = tpu.memref_slice %arg3[%dma_wait3A_169, %dma_wait3A_170] : memref<1000000x32xf32, #tpu.memory_space<hbm>> -> memref<1000000x32xf32, #tpu.memory_space<hbm>>
      tpu.wait_indirect_dma semaphore(%arg8 : memref<!tpu.dma_semaphore, #tpu.memory_space<semaphore_mem>>) src(%dma_wait3A_171 : memref<1000000x32xf32, #tpu.memory_space<hbm>>) dst(%dma_wait3A_165 : memref<100x32xf32, #tpu.memory_space<vmem>>)
      %gt3A = arith.constant 0 : i32
      %gt3A_172 = arith.cmpi sgt, %scan3A_155, %gt3A : i32
      %convert_element_type3A = arith.extui %gt3A_172 : i1 to i32
      %cond3A = arith.constant 0 : i32
      %cond3A_173 = arith.constant 0 : i32
      %cond3A_174 = arith.cmpi ne, %convert_element_type3A, %cond3A_173 : i32
      scf.if %cond3A_174 {
        %sub3A_549 = arith.constant 4 : i32
        %sub3A_550 = arith.subi %add3A_160, %sub3A_549 : i32
        %mul3A_551 = arith.constant 32 : i32
        %mul3A_552 = arith.muli %add3A, %mul3A_551 : i32
        %jit3A_553 = arith.constant 13 : i32
        %div3A_554 = arith.divsi %sub3A_550, %jit3A_553 : i32
        %sign3A_555 = arith.constant 0 : i32
        %sign3A_556 = arith.cmpi sgt, %sub3A_550, %sign3A_555 : i32
        %sign3A_557 = arith.extui %sign3A_556 : i1 to i32
        %sign3A_558 = arith.constant 0 : i32
        %sign3A_559 = arith.cmpi slt, %sub3A_550, %sign3A_558 : i32
        %sign3A_560 = arith.extui %sign3A_559 : i1 to i32
        %sign3A_561 = arith.subi %sign3A_557, %sign3A_560 : i32
        %sign3A_562 = arith.constant 0 : i32
        %sign3A_563 = arith.cmpi sgt, %jit3A_553, %sign3A_562 : i32
        %sign3A_564 = arith.extui %sign3A_563 : i1 to i32
        %sign3A_565 = arith.constant 0 : i32
        %sign3A_566 = arith.cmpi slt, %jit3A_553, %sign3A_565 : i32
        %sign3A_567 = arith.extui %sign3A_566 : i1 to i32
        %sign3A_568 = arith.subi %sign3A_564, %sign3A_567 : i32
        %ne3A_569 = arith.cmpi ne, %sign3A_561, %sign3A_568 : i32
        %rem3A_570 = arith.remsi %sub3A_550, %jit3A_553 : i32
        %ne3A_571 = arith.constant 0 : i32
        %ne3A_572 = arith.cmpi ne, %rem3A_570, %ne3A_571 : i32
        %and3A_573 = arith.andi %ne3A_569, %ne3A_572 : i1
        %sub3A_574 = arith.constant 1 : i32
        %sub3A_575 = arith.subi %div3A_554, %sub3A_574 : i32
        %select_n3A_576 = arith.select %and3A_573, %sub3A_575, %div3A_554 : i32
        %add3A_577 = arith.addi %mul3A_552, %select_n3A_576 : i32
        %jit3A_578 = arith.constant 13 : i32
        %eq3A_579 = arith.constant 0 : i32
        %eq3A_580 = arith.cmpi eq, %jit3A_578, %eq3A_579 : i32
        %jit3A_581 = arith.constant 1 : i32
        %select_n3A_582 = arith.select %eq3A_580, %jit3A_581, %jit3A_578 : i32
        %rem3A_583 = arith.remsi %sub3A_550, %select_n3A_582 : i32
        %ne3A_584 = arith.constant 0 : i32
        %ne3A_585 = arith.cmpi ne, %rem3A_583, %ne3A_584 : i32
        %lt3A_586 = arith.constant 0 : i32
        %lt3A_587 = arith.cmpi slt, %rem3A_583, %lt3A_586 : i32
        %lt3A_588 = arith.constant 0 : i32
        %lt3A_589 = arith.cmpi slt, %select_n3A_582, %lt3A_588 : i32
        %ne3A_590 = arith.xori %lt3A_587, %lt3A_589 : i1
        %and3A_591 = arith.andi %ne3A_590, %ne3A_585 : i1
        %add3A_592 = arith.addi %rem3A_583, %select_n3A_582 : i32
        %select_n3A_593 = arith.select %and3A_591, %add3A_592, %rem3A_583 : i32
        %mul3A_594 = arith.constant 2 : i32
        %mul3A_595 = arith.muli %select_n3A_593, %mul3A_594 : i32
        %dma_wait3A_596 = arith.constant 0 : i32
        %dma_wait3A_597 = arith.constant 0 : i32
        %dma_wait3A_598 = arith.constant 0 : i32
        %dma_wait3A_599 = tpu.memref_slice %arg7[%cond3A, %dma_wait3A_596, %dma_wait3A_597, %dma_wait3A_598] : memref<4x2x32x50xf32, #tpu.memory_space<vmem>> -> memref<1x2x32x50xf32, #tpu.memory_space<vmem>>
        %dma_wait3A_600 = tpu.memref_squeeze %dma_wait3A_599 : memref<1x2x32x50xf32, #tpu.memory_space<vmem>> -> memref<2x32x50xf32, #tpu.memory_space<vmem>>
        %dma_wait3A_601 = arith.constant 0 : i32
        %dma_wait3A_602 = arith.constant 0 : i32
        %dma_wait3A_603 = tpu.memref_slice %arg4[%add3A_577, %mul3A_595, %dma_wait3A_601, %dma_wait3A_602] : memref<1024x26x32x50xf32, #tpu.memory_space<hbm>> -> memref<1x2x32x50xf32, #tpu.memory_space<hbm>>
        %dma_wait3A_604 = tpu.memref_squeeze %dma_wait3A_603 : memref<1x2x32x50xf32, #tpu.memory_space<hbm>> -> memref<2x32x50xf32, #tpu.memory_space<hbm>>
        %dma_wait3A_605 = arith.constant 0 : i32
        %dma_wait3A_606 = arith.constant 0 : i32
        %dma_wait3A_607 = tpu.memref_slice %arg4[%add3A_577, %mul3A_595, %dma_wait3A_605, %dma_wait3A_606] : memref<1024x26x32x50xf32, #tpu.memory_space<hbm>> -> memref<1x2x32x50xf32, #tpu.memory_space<hbm>>
        %dma_wait3A_608 = tpu.memref_squeeze %dma_wait3A_607 : memref<1x2x32x50xf32, #tpu.memory_space<hbm>> -> memref<2x32x50xf32, #tpu.memory_space<hbm>>
        %dma_wait3A_609 = arith.constant 0 : i32
        %dma_wait3A_610 = arith.constant 0 : i32
        %dma_wait3A_611 = arith.constant 0 : i32
        %dma_wait3A_612 = tpu.memref_slice %arg7[%cond3A, %dma_wait3A_609, %dma_wait3A_610, %dma_wait3A_611] : memref<4x2x32x50xf32, #tpu.memory_space<vmem>> -> memref<1x2x32x50xf32, #tpu.memory_space<vmem>>
        %dma_wait3A_613 = tpu.memref_squeeze %dma_wait3A_612 : memref<1x2x32x50xf32, #tpu.memory_space<vmem>> -> memref<2x32x50xf32, #tpu.memory_space<vmem>>
        tpu.wait_dma2 semaphore(%arg12 : memref<!tpu.dma_semaphore, #tpu.memory_space<semaphore_mem>>) src(%dma_wait3A_613 : memref<2x32x50xf32, #tpu.memory_space<vmem>>) dst(%dma_wait3A_608 : memref<2x32x50xf32, #tpu.memory_space<hbm>>)
      } else {
      }
      %scan3A_175 = arith.constant 0 : i32
      %scan3A_176 = arith.constant 0 : i32
      %scan3A_177 = arith.constant 0 : i32
      %scan3A_178 = arith.constant 0 : i32
      %scan3A_179 = arith.constant 50 : i32
      %scan3A_180 = arith.addi %scan3A_178, %scan3A_179 : i32
      %scan3A_181 = arith.constant 2 : i32
      %scan3A_182 = scf.for %scan3A_549 = %scan3A_178 to %scan3A_180 step %scan3A_181 iter_args(%scan3A_550 = %scan3A_177) -> (i32)  : i32 {
        %broadcast_in_dim3A = vector.broadcast %scan3A_549 : i32 to vector<16xi32>
        %add3A_551 = arith.constant 0 : i32
        %add3A_552 = arith.addi %add3A_551, %scan3A_549 : i32
        %broadcast_in_dim3A_553 = arith.constant 0 : i32
        %broadcast_in_dim3A_554 = vector.broadcast %broadcast_in_dim3A_553 : i32 to vector<16xi32>
        %get3A = arith.constant 0 : i32
        %get3A_555 = arith.constant 0 : i32
        %get3A_556 = tpu.memref_slice %arg6[%scan3A_175, %get3A, %get3A_555] : memref<4x100x32xf32, #tpu.memory_space<vmem>> -> memref<1x100x32xf32, #tpu.memory_space<vmem>>
        %get3A_557 = tpu.memref_squeeze %get3A_556 : memref<1x100x32xf32, #tpu.memory_space<vmem>> -> memref<100x32xf32, #tpu.memory_space<vmem>>
        %get3A_558 = arith.index_cast %add3A_552 : i32 to index
        %get3A_559 = arith.constant 0 : index
        %get3A_560 = tpu.vector_load %get3A_557[%get3A_558, %get3A_559] {strides = array<i32>} : memref<100x32xf32, #tpu.memory_space<vmem>>, vector<16xf32>,
        %get3A_561 = arith.constant 0 : i32
        %get3A_562 = arith.constant 0 : i32
        %get3A_563 = tpu.memref_slice %arg6[%scan3A_175, %get3A_561, %get3A_562] : memref<4x100x32xf32, #tpu.memory_space<vmem>> -> memref<1x100x32xf32, #tpu.memory_space<vmem>>
        %get3A_564 = tpu.memref_squeeze %get3A_563 : memref<1x100x32xf32, #tpu.memory_space<vmem>> -> memref<100x32xf32, #tpu.memory_space<vmem>>
        %get3A_565 = arith.index_cast %add3A_552 : i32 to index
        %get3A_566 = arith.constant 16 : index
        %get3A_567 = tpu.vector_load %get3A_564[%get3A_565, %get3A_566] {strides = array<i32>} : memref<100x32xf32, #tpu.memory_space<vmem>>, vector<16xf32>,
        %scatter3A = arith.constant 0 : i32
        %scatter3A_568 = arith.constant 0 : i32
        %scatter3A_569 = arith.constant 0 : i32
        %scatter3A_570 = tpu.memref_slice %arg7[%scan3A_176, %scatter3A, %scatter3A_568, %scatter3A_569] : memref<4x2x32x50xf32, #tpu.memory_space<vmem>> -> memref<1x2x32x50xf32, #tpu.memory_space<vmem>>
        %scatter3A_571 = tpu.memref_squeeze %scatter3A_570 : memref<1x2x32x50xf32, #tpu.memory_space<vmem>> -> memref<2x32x50xf32, #tpu.memory_space<vmem>>
        tpu.vector_store_idx %scatter3A_571[%broadcast_in_dim3A_554, %iota3A, %broadcast_in_dim3A], %get3A_560 : memref<2x32x50xf32, #tpu.memory_space<vmem>>[vector<16xi32>, vector<16xi32>, vector<16xi32>], vector<16xf32>,
        %add3A_572 = arith.constant 16 : i32
        %add3A_573 = vector.broadcast %add3A_572 : i32 to vector<16xi32>
        %add3A_574 = arith.addi %iota3A, %add3A_573 : vector<16xi32>
        %scatter3A_575 = arith.constant 0 : i32
        %scatter3A_576 = arith.constant 0 : i32
        %scatter3A_577 = arith.constant 0 : i32
        %scatter3A_578 = tpu.memref_slice %arg7[%scan3A_176, %scatter3A_575, %scatter3A_576, %scatter3A_577] : memref<4x2x32x50xf32, #tpu.memory_space<vmem>> -> memref<1x2x32x50xf32, #tpu.memory_space<vmem>>
        %scatter3A_579 = tpu.memref_squeeze %scatter3A_578 : memref<1x2x32x50xf32, #tpu.memory_space<vmem>> -> memref<2x32x50xf32, #tpu.memory_space<vmem>>
        tpu.vector_store_idx %scatter3A_579[%broadcast_in_dim3A_554, %add3A_574, %broadcast_in_dim3A], %get3A_567 : memref<2x32x50xf32, #tpu.memory_space<vmem>>[vector<16xi32>, vector<16xi32>, vector<16xi32>], vector<16xf32>,
        %add3A_580 = arith.constant 50 : i32
        %add3A_581 = arith.addi %add3A_580, %scan3A_549 : i32
        %broadcast_in_dim3A_582 = arith.constant 1 : i32
        %broadcast_in_dim3A_583 = vector.broadcast %broadcast_in_dim3A_582 : i32 to vector<16xi32>
        %get3A_584 = arith.constant 0 : i32
        %get3A_585 = arith.constant 0 : i32
        %get3A_586 = tpu.memref_slice %arg6[%scan3A_175, %get3A_584, %get3A_585] : memref<4x100x32xf32, #tpu.memory_space<vmem>> -> memref<1x100x32xf32, #tpu.memory_space<vmem>>
        %get3A_587 = tpu.memref_squeeze %get3A_586 : memref<1x100x32xf32, #tpu.memory_space<vmem>> -> memref<100x32xf32, #tpu.memory_space<vmem>>
        %get3A_588 = arith.index_cast %add3A_581 : i32 to index
        %get3A_589 = arith.constant 0 : index
        %get3A_590 = tpu.vector_load %get3A_587[%get3A_588, %get3A_589] {strides = array<i32>} : memref<100x32xf32, #tpu.memory_space<vmem>>, vector<16xf32>,
        %get3A_591 = arith.constant 0 : i32
        %get3A_592 = arith.constant 0 : i32
        %get3A_593 = tpu.memref_slice %arg6[%scan3A_175, %get3A_591, %get3A_592] : memref<4x100x32xf32, #tpu.memory_space<vmem>> -> memref<1x100x32xf32, #tpu.memory_space<vmem>>
        %get3A_594 = tpu.memref_squeeze %get3A_593 : memref<1x100x32xf32, #tpu.memory_space<vmem>> -> memref<100x32xf32, #tpu.memory_space<vmem>>
        %get3A_595 = arith.index_cast %add3A_581 : i32 to index
        %get3A_596 = arith.constant 16 : index
        %get3A_597 = tpu.vector_load %get3A_594[%get3A_595, %get3A_596] {strides = array<i32>} : memref<100x32xf32, #tpu.memory_space<vmem>>, vector<16xf32>,
        %scatter3A_598 = arith.constant 0 : i32
        %scatter3A_599 = arith.constant 0 : i32
        %scatter3A_600 = arith.constant 0 : i32
        %scatter3A_601 = tpu.memref_slice %arg7[%scan3A_176, %scatter3A_598, %scatter3A_599, %scatter3A_600] : memref<4x2x32x50xf32, #tpu.memory_space<vmem>> -> memref<1x2x32x50xf32, #tpu.memory_space<vmem>>
        %scatter3A_602 = tpu.memref_squeeze %scatter3A_601 : memref<1x2x32x50xf32, #tpu.memory_space<vmem>> -> memref<2x32x50xf32, #tpu.memory_space<vmem>>
        tpu.vector_store_idx %scatter3A_602[%broadcast_in_dim3A_583, %iota3A, %broadcast_in_dim3A], %get3A_590 : memref<2x32x50xf32, #tpu.memory_space<vmem>>[vector<16xi32>, vector<16xi32>, vector<16xi32>], vector<16xf32>,
        %add3A_603 = arith.constant 16 : i32
        %add3A_604 = vector.broadcast %add3A_603 : i32 to vector<16xi32>
        %add3A_605 = arith.addi %iota3A, %add3A_604 : vector<16xi32>
        %scatter3A_606 = arith.constant 0 : i32
        %scatter3A_607 = arith.constant 0 : i32
        %scatter3A_608 = arith.constant 0 : i32
        %scatter3A_609 = tpu.memref_slice %arg7[%scan3A_176, %scatter3A_606, %scatter3A_607, %scatter3A_608] : memref<4x2x32x50xf32, #tpu.memory_space<vmem>> -> memref<1x2x32x50xf32, #tpu.memory_space<vmem>>
        %scatter3A_610 = tpu.memref_squeeze %scatter3A_609 : memref<1x2x32x50xf32, #tpu.memory_space<vmem>> -> memref<2x32x50xf32, #tpu.memory_space<vmem>>
        tpu.vector_store_idx %scatter3A_610[%broadcast_in_dim3A_583, %add3A_605, %broadcast_in_dim3A], %get3A_597 : memref<2x32x50xf32, #tpu.memory_space<vmem>>[vector<16xi32>, vector<16xi32>, vector<16xi32>], vector<16xf32>,
        %scan3A_611 = arith.constant 0 : i32
        %scan3A_612 = arith.constant 1 : i32
        %scan3A_613 = arith.addi %scan3A_549, %scan3A_612 : i32
        %broadcast_in_dim3A_614 = vector.broadcast %scan3A_613 : i32 to vector<16xi32>
        %add3A_615 = arith.constant 0 : i32
        %add3A_616 = arith.addi %add3A_615, %scan3A_613 : i32
        %broadcast_in_dim3A_617 = arith.constant 0 : i32
        %broadcast_in_dim3A_618 = vector.broadcast %broadcast_in_dim3A_617 : i32 to vector<16xi32>
        %get3A_619 = arith.constant 0 : i32
        %get3A_620 = arith.constant 0 : i32
        %get3A_621 = tpu.memref_slice %arg6[%scan3A_175, %get3A_619, %get3A_620] : memref<4x100x32xf32, #tpu.memory_space<vmem>> -> memref<1x100x32xf32, #tpu.memory_space<vmem>>
        %get3A_622 = tpu.memref_squeeze %get3A_621 : memref<1x100x32xf32, #tpu.memory_space<vmem>> -> memref<100x32xf32, #tpu.memory_space<vmem>>
        %get3A_623 = arith.index_cast %add3A_616 : i32 to index
        %get3A_624 = arith.constant 0 : index
        %get3A_625 = tpu.vector_load %get3A_622[%get3A_623, %get3A_624] {strides = array<i32>} : memref<100x32xf32, #tpu.memory_space<vmem>>, vector<16xf32>,
        %get3A_626 = arith.constant 0 : i32
        %get3A_627 = arith.constant 0 : i32
        %get3A_628 = tpu.memref_slice %arg6[%scan3A_175, %get3A_626, %get3A_627] : memref<4x100x32xf32, #tpu.memory_space<vmem>> -> memref<1x100x32xf32, #tpu.memory_space<vmem>>
        %get3A_629 = tpu.memref_squeeze %get3A_628 : memref<1x100x32xf32, #tpu.memory_space<vmem>> -> memref<100x32xf32, #tpu.memory_space<vmem>>
        %get3A_630 = arith.index_cast %add3A_616 : i32 to index
        %get3A_631 = arith.constant 16 : index
        %get3A_632 = tpu.vector_load %get3A_629[%get3A_630, %get3A_631] {strides = array<i32>} : memref<100x32xf32, #tpu.memory_space<vmem>>, vector<16xf32>,
        %scatter3A_633 = arith.constant 0 : i32
        %scatter3A_634 = arith.constant 0 : i32
        %scatter3A_635 = arith.constant 0 : i32
        %scatter3A_636 = tpu.memref_slice %arg7[%scan3A_176, %scatter3A_633, %scatter3A_634, %scatter3A_635] : memref<4x2x32x50xf32, #tpu.memory_space<vmem>> -> memref<1x2x32x50xf32, #tpu.memory_space<vmem>>
        %scatter3A_637 = tpu.memref_squeeze %scatter3A_636 : memref<1x2x32x50xf32, #tpu.memory_space<vmem>> -> memref<2x32x50xf32, #tpu.memory_space<vmem>>
        tpu.vector_store_idx %scatter3A_637[%broadcast_in_dim3A_618, %iota3A, %broadcast_in_dim3A_614], %get3A_625 : memref<2x32x50xf32, #tpu.memory_space<vmem>>[vector<16xi32>, vector<16xi32>, vector<16xi32>], vector<16xf32>,
        %add3A_638 = arith.constant 16 : i32
        %add3A_639 = vector.broadcast %add3A_638 : i32 to vector<16xi32>
        %add3A_640 = arith.addi %iota3A, %add3A_639 : vector<16xi32>
        %scatter3A_641 = arith.constant 0 : i32
        %scatter3A_642 = arith.constant 0 : i32
        %scatter3A_643 = arith.constant 0 : i32
        %scatter3A_644 = tpu.memref_slice %arg7[%scan3A_176, %scatter3A_641, %scatter3A_642, %scatter3A_643] : memref<4x2x32x50xf32, #tpu.memory_space<vmem>> -> memref<1x2x32x50xf32, #tpu.memory_space<vmem>>
        %scatter3A_645 = tpu.memref_squeeze %scatter3A_644 : memref<1x2x32x50xf32, #tpu.memory_space<vmem>> -> memref<2x32x50xf32, #tpu.memory_space<vmem>>
        tpu.vector_store_idx %scatter3A_645[%broadcast_in_dim3A_618, %add3A_640, %broadcast_in_dim3A_614], %get3A_632 : memref<2x32x50xf32, #tpu.memory_space<vmem>>[vector<16xi32>, vector<16xi32>, vector<16xi32>], vector<16xf32>,
        %add3A_646 = arith.constant 50 : i32
        %add3A_647 = arith.addi %add3A_646, %scan3A_613 : i32
        %broadcast_in_dim3A_648 = arith.constant 1 : i32
        %broadcast_in_dim3A_649 = vector.broadcast %broadcast_in_dim3A_648 : i32 to vector<16xi32>
        %get3A_650 = arith.constant 0 : i32
        %get3A_651 = arith.constant 0 : i32
        %get3A_652 = tpu.memref_slice %arg6[%scan3A_175, %get3A_650, %get3A_651] : memref<4x100x32xf32, #tpu.memory_space<vmem>> -> memref<1x100x32xf32, #tpu.memory_space<vmem>>
        %get3A_653 = tpu.memref_squeeze %get3A_652 : memref<1x100x32xf32, #tpu.memory_space<vmem>> -> memref<100x32xf32, #tpu.memory_space<vmem>>
        %get3A_654 = arith.index_cast %add3A_647 : i32 to index
        %get3A_655 = arith.constant 0 : index
        %get3A_656 = tpu.vector_load %get3A_653[%get3A_654, %get3A_655] {strides = array<i32>} : memref<100x32xf32, #tpu.memory_space<vmem>>, vector<16xf32>,
        %get3A_657 = arith.constant 0 : i32
        %get3A_658 = arith.constant 0 : i32
        %get3A_659 = tpu.memref_slice %arg6[%scan3A_175, %get3A_657, %get3A_658] : memref<4x100x32xf32, #tpu.memory_space<vmem>> -> memref<1x100x32xf32, #tpu.memory_space<vmem>>
        %get3A_660 = tpu.memref_squeeze %get3A_659 : memref<1x100x32xf32, #tpu.memory_space<vmem>> -> memref<100x32xf32, #tpu.memory_space<vmem>>
        %get3A_661 = arith.index_cast %add3A_647 : i32 to index
        %get3A_662 = arith.constant 16 : index
        %get3A_663 = tpu.vector_load %get3A_660[%get3A_661, %get3A_662] {strides = array<i32>} : memref<100x32xf32, #tpu.memory_space<vmem>>, vector<16xf32>,
        %scatter3A_664 = arith.constant 0 : i32
        %scatter3A_665 = arith.constant 0 : i32
        %scatter3A_666 = arith.constant 0 : i32
        %scatter3A_667 = tpu.memref_slice %arg7[%scan3A_176, %scatter3A_664, %scatter3A_665, %scatter3A_666] : memref<4x2x32x50xf32, #tpu.memory_space<vmem>> -> memref<1x2x32x50xf32, #tpu.memory_space<vmem>>
        %scatter3A_668 = tpu.memref_squeeze %scatter3A_667 : memref<1x2x32x50xf32, #tpu.memory_space<vmem>> -> memref<2x32x50xf32, #tpu.memory_space<vmem>>
        tpu.vector_store_idx %scatter3A_668[%broadcast_in_dim3A_649, %iota3A, %broadcast_in_dim3A_614], %get3A_656 : memref<2x32x50xf32, #tpu.memory_space<vmem>>[vector<16xi32>, vector<16xi32>, vector<16xi32>], vector<16xf32>,
        %add3A_669 = arith.constant 16 : i32
        %add3A_670 = vector.broadcast %add3A_669 : i32 to vector<16xi32>
        %add3A_671 = arith.addi %iota3A, %add3A_670 : vector<16xi32>
        %scatter3A_672 = arith.constant 0 : i32
        %scatter3A_673 = arith.constant 0 : i32
        %scatter3A_674 = arith.constant 0 : i32
        %scatter3A_675 = tpu.memref_slice %arg7[%scan3A_176, %scatter3A_672, %scatter3A_673, %scatter3A_674] : memref<4x2x32x50xf32, #tpu.memory_space<vmem>> -> memref<1x2x32x50xf32, #tpu.memory_space<vmem>>
        %scatter3A_676 = tpu.memref_squeeze %scatter3A_675 : memref<1x2x32x50xf32, #tpu.memory_space<vmem>> -> memref<2x32x50xf32, #tpu.memory_space<vmem>>
        tpu.vector_store_idx %scatter3A_676[%broadcast_in_dim3A_649, %add3A_671, %broadcast_in_dim3A_614], %get3A_663 : memref<2x32x50xf32, #tpu.memory_space<vmem>>[vector<16xi32>, vector<16xi32>, vector<16xi32>], vector<16xf32>,
        %scan3A_677 = arith.constant 0 : i32
        scf.yield %scan3A_677 : i32
      }
      %scan3A_183 = arith.constant 50 : i32
      %add3A_184 = arith.constant 4 : i32
      %add3A_185 = arith.addi %add3A_160, %add3A_184 : i32
      %lt3A = arith.constant 416 : i32
      %lt3A_186 = arith.cmpi slt, %add3A_185, %lt3A : i32
      %convert_element_type3A_187 = arith.extui %lt3A_186 : i1 to i32
      %cond3A_188 = arith.constant 0 : i32
      %cond3A_189 = arith.cmpi ne, %convert_element_type3A_187, %cond3A_188 : i32
      scf.if %cond3A_189 {
        %add3A_549 = arith.constant 4 : i32
        %add3A_550 = arith.addi %add3A_160, %add3A_549 : i32
        %dma_start3A_551 = arith.constant 0 : i32
        %dma_start3A_552 = arith.constant 0 : i32
        %dma_start3A_553 = arith.constant 0 : i32
        %dma_start3A_554 = tpu.memref_slice %arg6[%dma_start3A_551, %dma_start3A_552, %dma_start3A_553] : memref<4x100x32xf32, #tpu.memory_space<vmem>> -> memref<1x100x32xf32, #tpu.memory_space<vmem>>
        %dma_start3A_555 = tpu.memref_squeeze %dma_start3A_554 : memref<1x100x32xf32, #tpu.memory_space<vmem>> -> memref<100x32xf32, #tpu.memory_space<vmem>>
        %dma_start3A_556 = arith.constant 0 : i32
        %dma_start3A_557 = tpu.memref_slice %arg5[%add3A_550, %dma_start3A_556] : memref<416x100xi32, #tpu.memory_space<vmem>> -> memref<1x100xi32, #tpu.memory_space<vmem>>
        %dma_start3A_558 = tpu.memref_squeeze %dma_start3A_557 : memref<1x100xi32, #tpu.memory_space<vmem>> -> memref<100xi32, #tpu.memory_space<vmem>>
        %dma_start3A_559 = arith.constant 0 : i32
        %dma_start3A_560 = arith.constant 0 : i32
        %dma_start3A_561 = tpu.memref_slice %arg3[%dma_start3A_559, %dma_start3A_560] : memref<1000000x32xf32, #tpu.memory_space<hbm>> -> memref<1000000x32xf32, #tpu.memory_space<hbm>>
        tpu.enqueue_indirect_dma source(%dma_start3A_561 : memref<1000000x32xf32, #tpu.memory_space<hbm>>) target(%dma_start3A_555 : memref<100x32xf32, #tpu.memory_space<vmem>>) offsets(%dma_start3A_558 : memref<100xi32, #tpu.memory_space<vmem>>) semaphore(%arg8 : memref<!tpu.dma_semaphore, #tpu.memory_space<semaphore_mem>>)
      } else {
      }
      %mul3A_190 = arith.constant 32 : i32
      %mul3A_191 = arith.muli %add3A, %mul3A_190 : i32
      %jit3A = arith.constant 13 : i32
      %div3A = arith.divsi %add3A_160, %jit3A : i32
      %sign3A = arith.constant 0 : i32
      %sign3A_192 = arith.cmpi sgt, %add3A_160, %sign3A : i32
      %sign3A_193 = arith.extui %sign3A_192 : i1 to i32
      %sign3A_194 = arith.constant 0 : i32
      %sign3A_195 = arith.cmpi slt, %add3A_160, %sign3A_194 : i32
      %sign3A_196 = arith.extui %sign3A_195 : i1 to i32
      %sign3A_197 = arith.subi %sign3A_193, %sign3A_196 : i32
      %sign3A_198 = arith.constant 0 : i32
      %sign3A_199 = arith.cmpi sgt, %jit3A, %sign3A_198 : i32
      %sign3A_200 = arith.extui %sign3A_199 : i1 to i32
      %sign3A_201 = arith.constant 0 : i32
      %sign3A_202 = arith.cmpi slt, %jit3A, %sign3A_201 : i32
      %sign3A_203 = arith.extui %sign3A_202 : i1 to i32
      %sign3A_204 = arith.subi %sign3A_200, %sign3A_203 : i32
      %ne3A = arith.cmpi ne, %sign3A_197, %sign3A_204 : i32
      %rem3A = arith.remsi %add3A_160, %jit3A : i32
      %ne3A_205 = arith.constant 0 : i32
      %ne3A_206 = arith.cmpi ne, %rem3A, %ne3A_205 : i32
      %and3A = arith.andi %ne3A, %ne3A_206 : i1
      %sub3A = arith.constant 1 : i32
      %sub3A_207 = arith.subi %div3A, %sub3A : i32
      %select_n3A = arith.select %and3A, %sub3A_207, %div3A : i32
      %add3A_208 = arith.addi %mul3A_191, %select_n3A : i32
      %jit3A_209 = arith.constant 13 : i32
      %eq3A = arith.constant 0 : i32
      %eq3A_210 = arith.cmpi eq, %jit3A_209, %eq3A : i32
      %jit3A_211 = arith.constant 1 : i32
      %select_n3A_212 = arith.select %eq3A_210, %jit3A_211, %jit3A_209 : i32
      %rem3A_213 = arith.remsi %add3A_160, %select_n3A_212 : i32
      %ne3A_214 = arith.constant 0 : i32
      %ne3A_215 = arith.cmpi ne, %rem3A_213, %ne3A_214 : i32
      %lt3A_216 = arith.constant 0 : i32
      %lt3A_217 = arith.cmpi slt, %rem3A_213, %lt3A_216 : i32
      %lt3A_218 = arith.constant 0 : i32
      %lt3A_219 = arith.cmpi slt, %select_n3A_212, %lt3A_218 : i32
      %ne3A_220 = arith.xori %lt3A_217, %lt3A_219 : i1
      %and3A_221 = arith.andi %ne3A_220, %ne3A_215 : i1
      %add3A_222 = arith.addi %rem3A_213, %select_n3A_212 : i32
      %select_n3A_223 = arith.select %and3A_221, %add3A_222, %rem3A_213 : i32
      %mul3A_224 = arith.constant 2 : i32
      %mul3A_225 = arith.muli %select_n3A_223, %mul3A_224 : i32
      %dma_start3A_226 = arith.constant 0 : i32
      %dma_start3A_227 = arith.constant 0 : i32
      %dma_start3A_228 = arith.constant 0 : i32
      %dma_start3A_229 = arith.constant 0 : i32
      %dma_start3A_230 = tpu.memref_slice %arg7[%dma_start3A_226, %dma_start3A_227, %dma_start3A_228, %dma_start3A_229] : memref<4x2x32x50xf32, #tpu.memory_space<vmem>> -> memref<1x2x32x50xf32, #tpu.memory_space<vmem>>
      %dma_start3A_231 = tpu.memref_squeeze %dma_start3A_230 : memref<1x2x32x50xf32, #tpu.memory_space<vmem>> -> memref<2x32x50xf32, #tpu.memory_space<vmem>>
      %dma_start3A_232 = arith.constant 0 : i32
      %dma_start3A_233 = arith.constant 0 : i32
      %dma_start3A_234 = tpu.memref_slice %arg4[%add3A_208, %mul3A_225, %dma_start3A_232, %dma_start3A_233] : memref<1024x26x32x50xf32, #tpu.memory_space<hbm>> -> memref<1x2x32x50xf32, #tpu.memory_space<hbm>>
      %dma_start3A_235 = tpu.memref_squeeze %dma_start3A_234 : memref<1x2x32x50xf32, #tpu.memory_space<hbm>> -> memref<2x32x50xf32, #tpu.memory_space<hbm>>
      %dma_start3A_236 = arith.constant 0 : i32
      %dma_start3A_237 = arith.constant 0 : i32
      %dma_start3A_238 = tpu.memref_slice %arg4[%add3A_208, %mul3A_225, %dma_start3A_236, %dma_start3A_237] : memref<1024x26x32x50xf32, #tpu.memory_space<hbm>> -> memref<1x2x32x50xf32, #tpu.memory_space<hbm>>
      %dma_start3A_239 = tpu.memref_squeeze %dma_start3A_238 : memref<1x2x32x50xf32, #tpu.memory_space<hbm>> -> memref<2x32x50xf32, #tpu.memory_space<hbm>>
      %dma_start3A_240 = arith.constant 0 : i32
      %dma_start3A_241 = arith.constant 0 : i32
      %dma_start3A_242 = arith.constant 0 : i32
      %dma_start3A_243 = tpu.memref_slice %arg7[%dma_start3A_226, %dma_start3A_240, %dma_start3A_241, %dma_start3A_242] : memref<4x2x32x50xf32, #tpu.memory_space<vmem>> -> memref<1x2x32x50xf32, #tpu.memory_space<vmem>>
      %dma_start3A_244 = tpu.memref_squeeze %dma_start3A_243 : memref<1x2x32x50xf32, #tpu.memory_space<vmem>> -> memref<2x32x50xf32, #tpu.memory_space<vmem>>
      tpu.enqueue_dma source(%dma_start3A_244 : memref<2x32x50xf32, #tpu.memory_space<vmem>>) target(%dma_start3A_239 : memref<2x32x50xf32, #tpu.memory_space<hbm>>) target_semaphore(%arg12 : memref<!tpu.dma_semaphore, #tpu.memory_space<semaphore_mem>>)
      %mul3A_245 = arith.constant 4 : i32
      %mul3A_246 = arith.muli %scan3A_155, %mul3A_245 : i32
      %add3A_247 = arith.constant 1 : i32
      %add3A_248 = arith.addi %mul3A_246, %add3A_247 : i32
      %dma_wait3A_249 = arith.constant 1 : i32
      %dma_wait3A_250 = arith.constant 0 : i32
      %dma_wait3A_251 = arith.constant 0 : i32
      %dma_wait3A_252 = tpu.memref_slice %arg6[%dma_wait3A_249, %dma_wait3A_250, %dma_wait3A_251] : memref<4x100x32xf32, #tpu.memory_space<vmem>> -> memref<1x100x32xf32, #tpu.memory_space<vmem>>
      %dma_wait3A_253 = tpu.memref_squeeze %dma_wait3A_252 : memref<1x100x32xf32, #tpu.memory_space<vmem>> -> memref<100x32xf32, #tpu.memory_space<vmem>>
      %dma_wait3A_254 = arith.constant 0 : i32
      %dma_wait3A_255 = tpu.memref_slice %arg5[%add3A_248, %dma_wait3A_254] : memref<416x100xi32, #tpu.memory_space<vmem>> -> memref<1x100xi32, #tpu.memory_space<vmem>>
      %dma_wait3A_256 = tpu.memref_squeeze %dma_wait3A_255 : memref<1x100xi32, #tpu.memory_space<vmem>> -> memref<100xi32, #tpu.memory_space<vmem>>
      %dma_wait3A_257 = arith.constant 0 : i32
      %dma_wait3A_258 = arith.constant 0 : i32
      %dma_wait3A_259 = tpu.memref_slice %arg3[%dma_wait3A_257, %dma_wait3A_258] : memref<1000000x32xf32, #tpu.memory_space<hbm>> -> memref<1000000x32xf32, #tpu.memory_space<hbm>>
      tpu.wait_indirect_dma semaphore(%arg9 : memref<!tpu.dma_semaphore, #tpu.memory_space<semaphore_mem>>) src(%dma_wait3A_259 : memref<1000000x32xf32, #tpu.memory_space<hbm>>) dst(%dma_wait3A_253 : memref<100x32xf32, #tpu.memory_space<vmem>>)
      %gt3A_260 = arith.constant 0 : i32
      %gt3A_261 = arith.cmpi sgt, %scan3A_155, %gt3A_260 : i32
      %convert_element_type3A_262 = arith.extui %gt3A_261 : i1 to i32
      %cond3A_263 = arith.constant 1 : i32
      %cond3A_264 = arith.constant 0 : i32
      %cond3A_265 = arith.cmpi ne, %convert_element_type3A_262, %cond3A_264 : i32
      scf.if %cond3A_265 {
        %sub3A_549 = arith.constant 4 : i32
        %sub3A_550 = arith.subi %add3A_248, %sub3A_549 : i32
        %mul3A_551 = arith.constant 32 : i32
        %mul3A_552 = arith.muli %add3A, %mul3A_551 : i32
        %jit3A_553 = arith.constant 13 : i32
        %div3A_554 = arith.divsi %sub3A_550, %jit3A_553 : i32
        %sign3A_555 = arith.constant 0 : i32
        %sign3A_556 = arith.cmpi sgt, %sub3A_550, %sign3A_555 : i32
        %sign3A_557 = arith.extui %sign3A_556 : i1 to i32
        %sign3A_558 = arith.constant 0 : i32
        %sign3A_559 = arith.cmpi slt, %sub3A_550, %sign3A_558 : i32
        %sign3A_560 = arith.extui %sign3A_559 : i1 to i32
        %sign3A_561 = arith.subi %sign3A_557, %sign3A_560 : i32
        %sign3A_562 = arith.constant 0 : i32
        %sign3A_563 = arith.cmpi sgt, %jit3A_553, %sign3A_562 : i32
        %sign3A_564 = arith.extui %sign3A_563 : i1 to i32
        %sign3A_565 = arith.constant 0 : i32
        %sign3A_566 = arith.cmpi slt, %jit3A_553, %sign3A_565 : i32
        %sign3A_567 = arith.extui %sign3A_566 : i1 to i32
        %sign3A_568 = arith.subi %sign3A_564, %sign3A_567 : i32
        %ne3A_569 = arith.cmpi ne, %sign3A_561, %sign3A_568 : i32
        %rem3A_570 = arith.remsi %sub3A_550, %jit3A_553 : i32
        %ne3A_571 = arith.constant 0 : i32
        %ne3A_572 = arith.cmpi ne, %rem3A_570, %ne3A_571 : i32
        %and3A_573 = arith.andi %ne3A_569, %ne3A_572 : i1
        %sub3A_574 = arith.constant 1 : i32
        %sub3A_575 = arith.subi %div3A_554, %sub3A_574 : i32
        %select_n3A_576 = arith.select %and3A_573, %sub3A_575, %div3A_554 : i32
        %add3A_577 = arith.addi %mul3A_552, %select_n3A_576 : i32
        %jit3A_578 = arith.constant 13 : i32
        %eq3A_579 = arith.constant 0 : i32
        %eq3A_580 = arith.cmpi eq, %jit3A_578, %eq3A_579 : i32
        %jit3A_581 = arith.constant 1 : i32
        %select_n3A_582 = arith.select %eq3A_580, %jit3A_581, %jit3A_578 : i32
        %rem3A_583 = arith.remsi %sub3A_550, %select_n3A_582 : i32
        %ne3A_584 = arith.constant 0 : i32
        %ne3A_585 = arith.cmpi ne, %rem3A_583, %ne3A_584 : i32
        %lt3A_586 = arith.constant 0 : i32
        %lt3A_587 = arith.cmpi slt, %rem3A_583, %lt3A_586 : i32
        %lt3A_588 = arith.constant 0 : i32
        %lt3A_589 = arith.cmpi slt, %select_n3A_582, %lt3A_588 : i32
        %ne3A_590 = arith.xori %lt3A_587, %lt3A_589 : i1
        %and3A_591 = arith.andi %ne3A_590, %ne3A_585 : i1
        %add3A_592 = arith.addi %rem3A_583, %select_n3A_582 : i32
        %select_n3A_593 = arith.select %and3A_591, %add3A_592, %rem3A_583 : i32
        %mul3A_594 = arith.constant 2 : i32
        %mul3A_595 = arith.muli %select_n3A_593, %mul3A_594 : i32
        %dma_wait3A_596 = arith.constant 0 : i32
        %dma_wait3A_597 = arith.constant 0 : i32
        %dma_wait3A_598 = arith.constant 0 : i32
        %dma_wait3A_599 = tpu.memref_slice %arg7[%cond3A_263, %dma_wait3A_596, %dma_wait3A_597, %dma_wait3A_598] : memref<4x2x32x50xf32, #tpu.memory_space<vmem>> -> memref<1x2x32x50xf32, #tpu.memory_space<vmem>>
        %dma_wait3A_600 = tpu.memref_squeeze %dma_wait3A_599 : memref<1x2x32x50xf32, #tpu.memory_space<vmem>> -> memref<2x32x50xf32, #tpu.memory_space<vmem>>
        %dma_wait3A_601 = arith.constant 0 : i32
        %dma_wait3A_602 = arith.constant 0 : i32
        %dma_wait3A_603 = tpu.memref_slice %arg4[%add3A_577, %mul3A_595, %dma_wait3A_601, %dma_wait3A_602] : memref<1024x26x32x50xf32, #tpu.memory_space<hbm>> -> memref<1x2x32x50xf32, #tpu.memory_space<hbm>>
        %dma_wait3A_604 = tpu.memref_squeeze %dma_wait3A_603 : memref<1x2x32x50xf32, #tpu.memory_space<hbm>> -> memref<2x32x50xf32, #tpu.memory_space<hbm>>
        %dma_wait3A_605 = arith.constant 0 : i32
        %dma_wait3A_606 = arith.constant 0 : i32
        %dma_wait3A_607 = tpu.memref_slice %arg4[%add3A_577, %mul3A_595, %dma_wait3A_605, %dma_wait3A_606] : memref<1024x26x32x50xf32, #tpu.memory_space<hbm>> -> memref<1x2x32x50xf32, #tpu.memory_space<hbm>>
        %dma_wait3A_608 = tpu.memref_squeeze %dma_wait3A_607 : memref<1x2x32x50xf32, #tpu.memory_space<hbm>> -> memref<2x32x50xf32, #tpu.memory_space<hbm>>
        %dma_wait3A_609 = arith.constant 0 : i32
        %dma_wait3A_610 = arith.constant 0 : i32
        %dma_wait3A_611 = arith.constant 0 : i32
        %dma_wait3A_612 = tpu.memref_slice %arg7[%cond3A_263, %dma_wait3A_609, %dma_wait3A_610, %dma_wait3A_611] : memref<4x2x32x50xf32, #tpu.memory_space<vmem>> -> memref<1x2x32x50xf32, #tpu.memory_space<vmem>>
        %dma_wait3A_613 = tpu.memref_squeeze %dma_wait3A_612 : memref<1x2x32x50xf32, #tpu.memory_space<vmem>> -> memref<2x32x50xf32, #tpu.memory_space<vmem>>
        tpu.wait_dma2 semaphore(%arg13 : memref<!tpu.dma_semaphore, #tpu.memory_space<semaphore_mem>>) src(%dma_wait3A_613 : memref<2x32x50xf32, #tpu.memory_space<vmem>>) dst(%dma_wait3A_608 : memref<2x32x50xf32, #tpu.memory_space<hbm>>)
      } else {
      }
      %scan3A_266 = arith.constant 1 : i32
      %scan3A_267 = arith.constant 1 : i32
      %scan3A_268 = arith.constant 0 : i32
      %scan3A_269 = arith.constant 0 : i32
      %scan3A_270 = arith.constant 50 : i32
      %scan3A_271 = arith.addi %scan3A_269, %scan3A_270 : i32
      %scan3A_272 = arith.constant 2 : i32
      %scan3A_273 = scf.for %scan3A_549 = %scan3A_269 to %scan3A_271 step %scan3A_272 iter_args(%scan3A_550 = %scan3A_268) -> (i32)  : i32 {
        %broadcast_in_dim3A = vector.broadcast %scan3A_549 : i32 to vector<16xi32>
        %add3A_551 = arith.constant 0 : i32
        %add3A_552 = arith.addi %add3A_551, %scan3A_549 : i32
        %broadcast_in_dim3A_553 = arith.constant 0 : i32
        %broadcast_in_dim3A_554 = vector.broadcast %broadcast_in_dim3A_553 : i32 to vector<16xi32>
        %get3A = arith.constant 0 : i32
        %get3A_555 = arith.constant 0 : i32
        %get3A_556 = tpu.memref_slice %arg6[%scan3A_266, %get3A, %get3A_555] : memref<4x100x32xf32, #tpu.memory_space<vmem>> -> memref<1x100x32xf32, #tpu.memory_space<vmem>>
        %get3A_557 = tpu.memref_squeeze %get3A_556 : memref<1x100x32xf32, #tpu.memory_space<vmem>> -> memref<100x32xf32, #tpu.memory_space<vmem>>
        %get3A_558 = arith.index_cast %add3A_552 : i32 to index
        %get3A_559 = arith.constant 0 : index
        %get3A_560 = tpu.vector_load %get3A_557[%get3A_558, %get3A_559] {strides = array<i32>} : memref<100x32xf32, #tpu.memory_space<vmem>>, vector<16xf32>,
        %get3A_561 = arith.constant 0 : i32
        %get3A_562 = arith.constant 0 : i32
        %get3A_563 = tpu.memref_slice %arg6[%scan3A_266, %get3A_561, %get3A_562] : memref<4x100x32xf32, #tpu.memory_space<vmem>> -> memref<1x100x32xf32, #tpu.memory_space<vmem>>
        %get3A_564 = tpu.memref_squeeze %get3A_563 : memref<1x100x32xf32, #tpu.memory_space<vmem>> -> memref<100x32xf32, #tpu.memory_space<vmem>>
        %get3A_565 = arith.index_cast %add3A_552 : i32 to index
        %get3A_566 = arith.constant 16 : index
        %get3A_567 = tpu.vector_load %get3A_564[%get3A_565, %get3A_566] {strides = array<i32>} : memref<100x32xf32, #tpu.memory_space<vmem>>, vector<16xf32>,
        %scatter3A = arith.constant 0 : i32
        %scatter3A_568 = arith.constant 0 : i32
        %scatter3A_569 = arith.constant 0 : i32
        %scatter3A_570 = tpu.memref_slice %arg7[%scan3A_267, %scatter3A, %scatter3A_568, %scatter3A_569] : memref<4x2x32x50xf32, #tpu.memory_space<vmem>> -> memref<1x2x32x50xf32, #tpu.memory_space<vmem>>
        %scatter3A_571 = tpu.memref_squeeze %scatter3A_570 : memref<1x2x32x50xf32, #tpu.memory_space<vmem>> -> memref<2x32x50xf32, #tpu.memory_space<vmem>>
        tpu.vector_store_idx %scatter3A_571[%broadcast_in_dim3A_554, %iota3A, %broadcast_in_dim3A], %get3A_560 : memref<2x32x50xf32, #tpu.memory_space<vmem>>[vector<16xi32>, vector<16xi32>, vector<16xi32>], vector<16xf32>,
        %add3A_572 = arith.constant 16 : i32
        %add3A_573 = vector.broadcast %add3A_572 : i32 to vector<16xi32>
        %add3A_574 = arith.addi %iota3A, %add3A_573 : vector<16xi32>
        %scatter3A_575 = arith.constant 0 : i32
        %scatter3A_576 = arith.constant 0 : i32
        %scatter3A_577 = arith.constant 0 : i32
        %scatter3A_578 = tpu.memref_slice %arg7[%scan3A_267, %scatter3A_575, %scatter3A_576, %scatter3A_577] : memref<4x2x32x50xf32, #tpu.memory_space<vmem>> -> memref<1x2x32x50xf32, #tpu.memory_space<vmem>>
        %scatter3A_579 = tpu.memref_squeeze %scatter3A_578 : memref<1x2x32x50xf32, #tpu.memory_space<vmem>> -> memref<2x32x50xf32, #tpu.memory_space<vmem>>
        tpu.vector_store_idx %scatter3A_579[%broadcast_in_dim3A_554, %add3A_574, %broadcast_in_dim3A], %get3A_567 : memref<2x32x50xf32, #tpu.memory_space<vmem>>[vector<16xi32>, vector<16xi32>, vector<16xi32>], vector<16xf32>,
        %add3A_580 = arith.constant 50 : i32
        %add3A_581 = arith.addi %add3A_580, %scan3A_549 : i32
        %broadcast_in_dim3A_582 = arith.constant 1 : i32
        %broadcast_in_dim3A_583 = vector.broadcast %broadcast_in_dim3A_582 : i32 to vector<16xi32>
        %get3A_584 = arith.constant 0 : i32
        %get3A_585 = arith.constant 0 : i32
        %get3A_586 = tpu.memref_slice %arg6[%scan3A_266, %get3A_584, %get3A_585] : memref<4x100x32xf32, #tpu.memory_space<vmem>> -> memref<1x100x32xf32, #tpu.memory_space<vmem>>
        %get3A_587 = tpu.memref_squeeze %get3A_586 : memref<1x100x32xf32, #tpu.memory_space<vmem>> -> memref<100x32xf32, #tpu.memory_space<vmem>>
        %get3A_588 = arith.index_cast %add3A_581 : i32 to index
        %get3A_589 = arith.constant 0 : index
        %get3A_590 = tpu.vector_load %get3A_587[%get3A_588, %get3A_589] {strides = array<i32>} : memref<100x32xf32, #tpu.memory_space<vmem>>, vector<16xf32>,
        %get3A_591 = arith.constant 0 : i32
        %get3A_592 = arith.constant 0 : i32
        %get3A_593 = tpu.memref_slice %arg6[%scan3A_266, %get3A_591, %get3A_592] : memref<4x100x32xf32, #tpu.memory_space<vmem>> -> memref<1x100x32xf32, #tpu.memory_space<vmem>>
        %get3A_594 = tpu.memref_squeeze %get3A_593 : memref<1x100x32xf32, #tpu.memory_space<vmem>> -> memref<100x32xf32, #tpu.memory_space<vmem>>
        %get3A_595 = arith.index_cast %add3A_581 : i32 to index
        %get3A_596 = arith.constant 16 : index
        %get3A_597 = tpu.vector_load %get3A_594[%get3A_595, %get3A_596] {strides = array<i32>} : memref<100x32xf32, #tpu.memory_space<vmem>>, vector<16xf32>,
        %scatter3A_598 = arith.constant 0 : i32
        %scatter3A_599 = arith.constant 0 : i32
        %scatter3A_600 = arith.constant 0 : i32
        %scatter3A_601 = tpu.memref_slice %arg7[%scan3A_267, %scatter3A_598, %scatter3A_599, %scatter3A_600] : memref<4x2x32x50xf32, #tpu.memory_space<vmem>> -> memref<1x2x32x50xf32, #tpu.memory_space<vmem>>
        %scatter3A_602 = tpu.memref_squeeze %scatter3A_601 : memref<1x2x32x50xf32, #tpu.memory_space<vmem>> -> memref<2x32x50xf32, #tpu.memory_space<vmem>>
        tpu.vector_store_idx %scatter3A_602[%broadcast_in_dim3A_583, %iota3A, %broadcast_in_dim3A], %get3A_590 : memref<2x32x50xf32, #tpu.memory_space<vmem>>[vector<16xi32>, vector<16xi32>, vector<16xi32>], vector<16xf32>,
        %add3A_603 = arith.constant 16 : i32
        %add3A_604 = vector.broadcast %add3A_603 : i32 to vector<16xi32>
        %add3A_605 = arith.addi %iota3A, %add3A_604 : vector<16xi32>
        %scatter3A_606 = arith.constant 0 : i32
        %scatter3A_607 = arith.constant 0 : i32
        %scatter3A_608 = arith.constant 0 : i32
        %scatter3A_609 = tpu.memref_slice %arg7[%scan3A_267, %scatter3A_606, %scatter3A_607, %scatter3A_608] : memref<4x2x32x50xf32, #tpu.memory_space<vmem>> -> memref<1x2x32x50xf32, #tpu.memory_space<vmem>>
        %scatter3A_610 = tpu.memref_squeeze %scatter3A_609 : memref<1x2x32x50xf32, #tpu.memory_space<vmem>> -> memref<2x32x50xf32, #tpu.memory_space<vmem>>
        tpu.vector_store_idx %scatter3A_610[%broadcast_in_dim3A_583, %add3A_605, %broadcast_in_dim3A], %get3A_597 : memref<2x32x50xf32, #tpu.memory_space<vmem>>[vector<16xi32>, vector<16xi32>, vector<16xi32>], vector<16xf32>,
        %scan3A_611 = arith.constant 0 : i32
        %scan3A_612 = arith.constant 1 : i32
        %scan3A_613 = arith.addi %scan3A_549, %scan3A_612 : i32
        %broadcast_in_dim3A_614 = vector.broadcast %scan3A_613 : i32 to vector<16xi32>
        %add3A_615 = arith.constant 0 : i32
        %add3A_616 = arith.addi %add3A_615, %scan3A_613 : i32
        %broadcast_in_dim3A_617 = arith.constant 0 : i32
        %broadcast_in_dim3A_618 = vector.broadcast %broadcast_in_dim3A_617 : i32 to vector<16xi32>
        %get3A_619 = arith.constant 0 : i32
        %get3A_620 = arith.constant 0 : i32
        %get3A_621 = tpu.memref_slice %arg6[%scan3A_266, %get3A_619, %get3A_620] : memref<4x100x32xf32, #tpu.memory_space<vmem>> -> memref<1x100x32xf32, #tpu.memory_space<vmem>>
        %get3A_622 = tpu.memref_squeeze %get3A_621 : memref<1x100x32xf32, #tpu.memory_space<vmem>> -> memref<100x32xf32, #tpu.memory_space<vmem>>
        %get3A_623 = arith.index_cast %add3A_616 : i32 to index
        %get3A_624 = arith.constant 0 : index
        %get3A_625 = tpu.vector_load %get3A_622[%get3A_623, %get3A_624] {strides = array<i32>} : memref<100x32xf32, #tpu.memory_space<vmem>>, vector<16xf32>,
        %get3A_626 = arith.constant 0 : i32
        %get3A_627 = arith.constant 0 : i32
        %get3A_628 = tpu.memref_slice %arg6[%scan3A_266, %get3A_626, %get3A_627] : memref<4x100x32xf32, #tpu.memory_space<vmem>> -> memref<1x100x32xf32, #tpu.memory_space<vmem>>
        %get3A_629 = tpu.memref_squeeze %get3A_628 : memref<1x100x32xf32, #tpu.memory_space<vmem>> -> memref<100x32xf32, #tpu.memory_space<vmem>>
        %get3A_630 = arith.index_cast %add3A_616 : i32 to index
        %get3A_631 = arith.constant 16 : index
        %get3A_632 = tpu.vector_load %get3A_629[%get3A_630, %get3A_631] {strides = array<i32>} : memref<100x32xf32, #tpu.memory_space<vmem>>, vector<16xf32>,
        %scatter3A_633 = arith.constant 0 : i32
        %scatter3A_634 = arith.constant 0 : i32
        %scatter3A_635 = arith.constant 0 : i32
        %scatter3A_636 = tpu.memref_slice %arg7[%scan3A_267, %scatter3A_633, %scatter3A_634, %scatter3A_635] : memref<4x2x32x50xf32, #tpu.memory_space<vmem>> -> memref<1x2x32x50xf32, #tpu.memory_space<vmem>>
        %scatter3A_637 = tpu.memref_squeeze %scatter3A_636 : memref<1x2x32x50xf32, #tpu.memory_space<vmem>> -> memref<2x32x50xf32, #tpu.memory_space<vmem>>
        tpu.vector_store_idx %scatter3A_637[%broadcast_in_dim3A_618, %iota3A, %broadcast_in_dim3A_614], %get3A_625 : memref<2x32x50xf32, #tpu.memory_space<vmem>>[vector<16xi32>, vector<16xi32>, vector<16xi32>], vector<16xf32>,
        %add3A_638 = arith.constant 16 : i32
        %add3A_639 = vector.broadcast %add3A_638 : i32 to vector<16xi32>
        %add3A_640 = arith.addi %iota3A, %add3A_639 : vector<16xi32>
        %scatter3A_641 = arith.constant 0 : i32
        %scatter3A_642 = arith.constant 0 : i32
        %scatter3A_643 = arith.constant 0 : i32
        %scatter3A_644 = tpu.memref_slice %arg7[%scan3A_267, %scatter3A_641, %scatter3A_642, %scatter3A_643] : memref<4x2x32x50xf32, #tpu.memory_space<vmem>> -> memref<1x2x32x50xf32, #tpu.memory_space<vmem>>
        %scatter3A_645 = tpu.memref_squeeze %scatter3A_644 : memref<1x2x32x50xf32, #tpu.memory_space<vmem>> -> memref<2x32x50xf32, #tpu.memory_space<vmem>>
        tpu.vector_store_idx %scatter3A_645[%broadcast_in_dim3A_618, %add3A_640, %broadcast_in_dim3A_614], %get3A_632 : memref<2x32x50xf32, #tpu.memory_space<vmem>>[vector<16xi32>, vector<16xi32>, vector<16xi32>], vector<16xf32>,
        %add3A_646 = arith.constant 50 : i32
        %add3A_647 = arith.addi %add3A_646, %scan3A_613 : i32
        %broadcast_in_dim3A_648 = arith.constant 1 : i32
        %broadcast_in_dim3A_649 = vector.broadcast %broadcast_in_dim3A_648 : i32 to vector<16xi32>
        %get3A_650 = arith.constant 0 : i32
        %get3A_651 = arith.constant 0 : i32
        %get3A_652 = tpu.memref_slice %arg6[%scan3A_266, %get3A_650, %get3A_651] : memref<4x100x32xf32, #tpu.memory_space<vmem>> -> memref<1x100x32xf32, #tpu.memory_space<vmem>>
        %get3A_653 = tpu.memref_squeeze %get3A_652 : memref<1x100x32xf32, #tpu.memory_space<vmem>> -> memref<100x32xf32, #tpu.memory_space<vmem>>
        %get3A_654 = arith.index_cast %add3A_647 : i32 to index
        %get3A_655 = arith.constant 0 : index
        %get3A_656 = tpu.vector_load %get3A_653[%get3A_654, %get3A_655] {strides = array<i32>} : memref<100x32xf32, #tpu.memory_space<vmem>>, vector<16xf32>,
        %get3A_657 = arith.constant 0 : i32
        %get3A_658 = arith.constant 0 : i32
        %get3A_659 = tpu.memref_slice %arg6[%scan3A_266, %get3A_657, %get3A_658] : memref<4x100x32xf32, #tpu.memory_space<vmem>> -> memref<1x100x32xf32, #tpu.memory_space<vmem>>
        %get3A_660 = tpu.memref_squeeze %get3A_659 : memref<1x100x32xf32, #tpu.memory_space<vmem>> -> memref<100x32xf32, #tpu.memory_space<vmem>>
        %get3A_661 = arith.index_cast %add3A_647 : i32 to index
        %get3A_662 = arith.constant 16 : index
        %get3A_663 = tpu.vector_load %get3A_660[%get3A_661, %get3A_662] {strides = array<i32>} : memref<100x32xf32, #tpu.memory_space<vmem>>, vector<16xf32>,
        %scatter3A_664 = arith.constant 0 : i32
        %scatter3A_665 = arith.constant 0 : i32
        %scatter3A_666 = arith.constant 0 : i32
        %scatter3A_667 = tpu.memref_slice %arg7[%scan3A_267, %scatter3A_664, %scatter3A_665, %scatter3A_666] : memref<4x2x32x50xf32, #tpu.memory_space<vmem>> -> memref<1x2x32x50xf32, #tpu.memory_space<vmem>>
        %scatter3A_668 = tpu.memref_squeeze %scatter3A_667 : memref<1x2x32x50xf32, #tpu.memory_space<vmem>> -> memref<2x32x50xf32, #tpu.memory_space<vmem>>
        tpu.vector_store_idx %scatter3A_668[%broadcast_in_dim3A_649, %iota3A, %broadcast_in_dim3A_614], %get3A_656 : memref<2x32x50xf32, #tpu.memory_space<vmem>>[vector<16xi32>, vector<16xi32>, vector<16xi32>], vector<16xf32>,
        %add3A_669 = arith.constant 16 : i32
        %add3A_670 = vector.broadcast %add3A_669 : i32 to vector<16xi32>
        %add3A_671 = arith.addi %iota3A, %add3A_670 : vector<16xi32>
        %scatter3A_672 = arith.constant 0 : i32
        %scatter3A_673 = arith.constant 0 : i32
        %scatter3A_674 = arith.constant 0 : i32
        %scatter3A_675 = tpu.memref_slice %arg7[%scan3A_267, %scatter3A_672, %scatter3A_673, %scatter3A_674] : memref<4x2x32x50xf32, #tpu.memory_space<vmem>> -> memref<1x2x32x50xf32, #tpu.memory_space<vmem>>
        %scatter3A_676 = tpu.memref_squeeze %scatter3A_675 : memref<1x2x32x50xf32, #tpu.memory_space<vmem>> -> memref<2x32x50xf32, #tpu.memory_space<vmem>>
        tpu.vector_store_idx %scatter3A_676[%broadcast_in_dim3A_649, %add3A_671, %broadcast_in_dim3A_614], %get3A_663 : memref<2x32x50xf32, #tpu.memory_space<vmem>>[vector<16xi32>, vector<16xi32>, vector<16xi32>], vector<16xf32>,
        %scan3A_677 = arith.constant 0 : i32
        scf.yield %scan3A_677 : i32
      }
      %scan3A_274 = arith.constant 50 : i32
      %add3A_275 = arith.constant 4 : i32
      %add3A_276 = arith.addi %add3A_248, %add3A_275 : i32
      %lt3A_277 = arith.constant 416 : i32
      %lt3A_278 = arith.cmpi slt, %add3A_276, %lt3A_277 : i32
      %convert_element_type3A_279 = arith.extui %lt3A_278 : i1 to i32
      %cond3A_280 = arith.constant 0 : i32
      %cond3A_281 = arith.cmpi ne, %convert_element_type3A_279, %cond3A_280 : i32
      scf.if %cond3A_281 {
        %add3A_549 = arith.constant 4 : i32
        %add3A_550 = arith.addi %add3A_248, %add3A_549 : i32
        %dma_start3A_551 = arith.constant 1 : i32
        %dma_start3A_552 = arith.constant 0 : i32
        %dma_start3A_553 = arith.constant 0 : i32
        %dma_start3A_554 = tpu.memref_slice %arg6[%dma_start3A_551, %dma_start3A_552, %dma_start3A_553] : memref<4x100x32xf32, #tpu.memory_space<vmem>> -> memref<1x100x32xf32, #tpu.memory_space<vmem>>
        %dma_start3A_555 = tpu.memref_squeeze %dma_start3A_554 : memref<1x100x32xf32, #tpu.memory_space<vmem>> -> memref<100x32xf32, #tpu.memory_space<vmem>>
        %dma_start3A_556 = arith.constant 0 : i32
        %dma_start3A_557 = tpu.memref_slice %arg5[%add3A_550, %dma_start3A_556] : memref<416x100xi32, #tpu.memory_space<vmem>> -> memref<1x100xi32, #tpu.memory_space<vmem>>
        %dma_start3A_558 = tpu.memref_squeeze %dma_start3A_557 : memref<1x100xi32, #tpu.memory_space<vmem>> -> memref<100xi32, #tpu.memory_space<vmem>>
        %dma_start3A_559 = arith.constant 0 : i32
        %dma_start3A_560 = arith.constant 0 : i32
        %dma_start3A_561 = tpu.memref_slice %arg3[%dma_start3A_559, %dma_start3A_560] : memref<1000000x32xf32, #tpu.memory_space<hbm>> -> memref<1000000x32xf32, #tpu.memory_space<hbm>>
        tpu.enqueue_indirect_dma source(%dma_start3A_561 : memref<1000000x32xf32, #tpu.memory_space<hbm>>) target(%dma_start3A_555 : memref<100x32xf32, #tpu.memory_space<vmem>>) offsets(%dma_start3A_558 : memref<100xi32, #tpu.memory_space<vmem>>) semaphore(%arg9 : memref<!tpu.dma_semaphore, #tpu.memory_space<semaphore_mem>>)
      } else {
      }
      %mul3A_282 = arith.constant 32 : i32
      %mul3A_283 = arith.muli %add3A, %mul3A_282 : i32
      %jit3A_284 = arith.constant 13 : i32
      %div3A_285 = arith.divsi %add3A_248, %jit3A_284 : i32
      %sign3A_286 = arith.constant 0 : i32
      %sign3A_287 = arith.cmpi sgt, %add3A_248, %sign3A_286 : i32
      %sign3A_288 = arith.extui %sign3A_287 : i1 to i32
      %sign3A_289 = arith.constant 0 : i32
      %sign3A_290 = arith.cmpi slt, %add3A_248, %sign3A_289 : i32
      %sign3A_291 = arith.extui %sign3A_290 : i1 to i32
      %sign3A_292 = arith.subi %sign3A_288, %sign3A_291 : i32
      %sign3A_293 = arith.constant 0 : i32
      %sign3A_294 = arith.cmpi sgt, %jit3A_284, %sign3A_293 : i32
      %sign3A_295 = arith.extui %sign3A_294 : i1 to i32
      %sign3A_296 = arith.constant 0 : i32
      %sign3A_297 = arith.cmpi slt, %jit3A_284, %sign3A_296 : i32
      %sign3A_298 = arith.extui %sign3A_297 : i1 to i32
      %sign3A_299 = arith.subi %sign3A_295, %sign3A_298 : i32
      %ne3A_300 = arith.cmpi ne, %sign3A_292, %sign3A_299 : i32
      %rem3A_301 = arith.remsi %add3A_248, %jit3A_284 : i32
      %ne3A_302 = arith.constant 0 : i32
      %ne3A_303 = arith.cmpi ne, %rem3A_301, %ne3A_302 : i32
      %and3A_304 = arith.andi %ne3A_300, %ne3A_303 : i1
      %sub3A_305 = arith.constant 1 : i32
      %sub3A_306 = arith.subi %div3A_285, %sub3A_305 : i32
      %select_n3A_307 = arith.select %and3A_304, %sub3A_306, %div3A_285 : i32
      %add3A_308 = arith.addi %mul3A_283, %select_n3A_307 : i32
      %jit3A_309 = arith.constant 13 : i32
      %eq3A_310 = arith.constant 0 : i32
      %eq3A_311 = arith.cmpi eq, %jit3A_309, %eq3A_310 : i32
      %jit3A_312 = arith.constant 1 : i32
      %select_n3A_313 = arith.select %eq3A_311, %jit3A_312, %jit3A_309 : i32
      %rem3A_314 = arith.remsi %add3A_248, %select_n3A_313 : i32
      %ne3A_315 = arith.constant 0 : i32
      %ne3A_316 = arith.cmpi ne, %rem3A_314, %ne3A_315 : i32
      %lt3A_317 = arith.constant 0 : i32
      %lt3A_318 = arith.cmpi slt, %rem3A_314, %lt3A_317 : i32
      %lt3A_319 = arith.constant 0 : i32
      %lt3A_320 = arith.cmpi slt, %select_n3A_313, %lt3A_319 : i32
      %ne3A_321 = arith.xori %lt3A_318, %lt3A_320 : i1
      %and3A_322 = arith.andi %ne3A_321, %ne3A_316 : i1
      %add3A_323 = arith.addi %rem3A_314, %select_n3A_313 : i32
      %select_n3A_324 = arith.select %and3A_322, %add3A_323, %rem3A_314 : i32
      %mul3A_325 = arith.constant 2 : i32
      %mul3A_326 = arith.muli %select_n3A_324, %mul3A_325 : i32
      %dma_start3A_327 = arith.constant 1 : i32
      %dma_start3A_328 = arith.constant 0 : i32
      %dma_start3A_329 = arith.constant 0 : i32
      %dma_start3A_330 = arith.constant 0 : i32
      %dma_start3A_331 = tpu.memref_slice %arg7[%dma_start3A_327, %dma_start3A_328, %dma_start3A_329, %dma_start3A_330] : memref<4x2x32x50xf32, #tpu.memory_space<vmem>> -> memref<1x2x32x50xf32, #tpu.memory_space<vmem>>
      %dma_start3A_332 = tpu.memref_squeeze %dma_start3A_331 : memref<1x2x32x50xf32, #tpu.memory_space<vmem>> -> memref<2x32x50xf32, #tpu.memory_space<vmem>>
      %dma_start3A_333 = arith.constant 0 : i32
      %dma_start3A_334 = arith.constant 0 : i32
      %dma_start3A_335 = tpu.memref_slice %arg4[%add3A_308, %mul3A_326, %dma_start3A_333, %dma_start3A_334] : memref<1024x26x32x50xf32, #tpu.memory_space<hbm>> -> memref<1x2x32x50xf32, #tpu.memory_space<hbm>>
      %dma_start3A_336 = tpu.memref_squeeze %dma_start3A_335 : memref<1x2x32x50xf32, #tpu.memory_space<hbm>> -> memref<2x32x50xf32, #tpu.memory_space<hbm>>
      %dma_start3A_337 = arith.constant 0 : i32
      %dma_start3A_338 = arith.constant 0 : i32
      %dma_start3A_339 = tpu.memref_slice %arg4[%add3A_308, %mul3A_326, %dma_start3A_337, %dma_start3A_338] : memref<1024x26x32x50xf32, #tpu.memory_space<hbm>> -> memref<1x2x32x50xf32, #tpu.memory_space<hbm>>
      %dma_start3A_340 = tpu.memref_squeeze %dma_start3A_339 : memref<1x2x32x50xf32, #tpu.memory_space<hbm>> -> memref<2x32x50xf32, #tpu.memory_space<hbm>>
      %dma_start3A_341 = arith.constant 0 : i32
      %dma_start3A_342 = arith.constant 0 : i32
      %dma_start3A_343 = arith.constant 0 : i32
      %dma_start3A_344 = tpu.memref_slice %arg7[%dma_start3A_327, %dma_start3A_341, %dma_start3A_342, %dma_start3A_343] : memref<4x2x32x50xf32, #tpu.memory_space<vmem>> -> memref<1x2x32x50xf32, #tpu.memory_space<vmem>>
      %dma_start3A_345 = tpu.memref_squeeze %dma_start3A_344 : memref<1x2x32x50xf32, #tpu.memory_space<vmem>> -> memref<2x32x50xf32, #tpu.memory_space<vmem>>
      tpu.enqueue_dma source(%dma_start3A_345 : memref<2x32x50xf32, #tpu.memory_space<vmem>>) target(%dma_start3A_340 : memref<2x32x50xf32, #tpu.memory_space<hbm>>) target_semaphore(%arg13 : memref<!tpu.dma_semaphore, #tpu.memory_space<semaphore_mem>>)
      %mul3A_346 = arith.constant 4 : i32
      %mul3A_347 = arith.muli %scan3A_155, %mul3A_346 : i32
      %add3A_348 = arith.constant 2 : i32
      %add3A_349 = arith.addi %mul3A_347, %add3A_348 : i32
      %dma_wait3A_350 = arith.constant 2 : i32
      %dma_wait3A_351 = arith.constant 0 : i32
      %dma_wait3A_352 = arith.constant 0 : i32
      %dma_wait3A_353 = tpu.memref_slice %arg6[%dma_wait3A_350, %dma_wait3A_351, %dma_wait3A_352] : memref<4x100x32xf32, #tpu.memory_space<vmem>> -> memref<1x100x32xf32, #tpu.memory_space<vmem>>
      %dma_wait3A_354 = tpu.memref_squeeze %dma_wait3A_353 : memref<1x100x32xf32, #tpu.memory_space<vmem>> -> memref<100x32xf32, #tpu.memory_space<vmem>>
      %dma_wait3A_355 = arith.constant 0 : i32
      %dma_wait3A_356 = tpu.memref_slice %arg5[%add3A_349, %dma_wait3A_355] : memref<416x100xi32, #tpu.memory_space<vmem>> -> memref<1x100xi32, #tpu.memory_space<vmem>>
      %dma_wait3A_357 = tpu.memref_squeeze %dma_wait3A_356 : memref<1x100xi32, #tpu.memory_space<vmem>> -> memref<100xi32, #tpu.memory_space<vmem>>
      %dma_wait3A_358 = arith.constant 0 : i32
      %dma_wait3A_359 = arith.constant 0 : i32
      %dma_wait3A_360 = tpu.memref_slice %arg3[%dma_wait3A_358, %dma_wait3A_359] : memref<1000000x32xf32, #tpu.memory_space<hbm>> -> memref<1000000x32xf32, #tpu.memory_space<hbm>>
      tpu.wait_indirect_dma semaphore(%arg10 : memref<!tpu.dma_semaphore, #tpu.memory_space<semaphore_mem>>) src(%dma_wait3A_360 : memref<1000000x32xf32, #tpu.memory_space<hbm>>) dst(%dma_wait3A_354 : memref<100x32xf32, #tpu.memory_space<vmem>>)
      %gt3A_361 = arith.constant 0 : i32
      %gt3A_362 = arith.cmpi sgt, %scan3A_155, %gt3A_361 : i32
      %convert_element_type3A_363 = arith.extui %gt3A_362 : i1 to i32
      %cond3A_364 = arith.constant 2 : i32
      %cond3A_365 = arith.constant 0 : i32
      %cond3A_366 = arith.cmpi ne, %convert_element_type3A_363, %cond3A_365 : i32
      scf.if %cond3A_366 {
        %sub3A_549 = arith.constant 4 : i32
        %sub3A_550 = arith.subi %add3A_349, %sub3A_549 : i32
        %mul3A_551 = arith.constant 32 : i32
        %mul3A_552 = arith.muli %add3A, %mul3A_551 : i32
        %jit3A_553 = arith.constant 13 : i32
        %div3A_554 = arith.divsi %sub3A_550, %jit3A_553 : i32
        %sign3A_555 = arith.constant 0 : i32
        %sign3A_556 = arith.cmpi sgt, %sub3A_550, %sign3A_555 : i32
        %sign3A_557 = arith.extui %sign3A_556 : i1 to i32
        %sign3A_558 = arith.constant 0 : i32
        %sign3A_559 = arith.cmpi slt, %sub3A_550, %sign3A_558 : i32
        %sign3A_560 = arith.extui %sign3A_559 : i1 to i32
        %sign3A_561 = arith.subi %sign3A_557, %sign3A_560 : i32
        %sign3A_562 = arith.constant 0 : i32
        %sign3A_563 = arith.cmpi sgt, %jit3A_553, %sign3A_562 : i32
        %sign3A_564 = arith.extui %sign3A_563 : i1 to i32
        %sign3A_565 = arith.constant 0 : i32
        %sign3A_566 = arith.cmpi slt, %jit3A_553, %sign3A_565 : i32
        %sign3A_567 = arith.extui %sign3A_566 : i1 to i32
        %sign3A_568 = arith.subi %sign3A_564, %sign3A_567 : i32
        %ne3A_569 = arith.cmpi ne, %sign3A_561, %sign3A_568 : i32
        %rem3A_570 = arith.remsi %sub3A_550, %jit3A_553 : i32
        %ne3A_571 = arith.constant 0 : i32
        %ne3A_572 = arith.cmpi ne, %rem3A_570, %ne3A_571 : i32
        %and3A_573 = arith.andi %ne3A_569, %ne3A_572 : i1
        %sub3A_574 = arith.constant 1 : i32
        %sub3A_575 = arith.subi %div3A_554, %sub3A_574 : i32
        %select_n3A_576 = arith.select %and3A_573, %sub3A_575, %div3A_554 : i32
        %add3A_577 = arith.addi %mul3A_552, %select_n3A_576 : i32
        %jit3A_578 = arith.constant 13 : i32
        %eq3A_579 = arith.constant 0 : i32
        %eq3A_580 = arith.cmpi eq, %jit3A_578, %eq3A_579 : i32
        %jit3A_581 = arith.constant 1 : i32
        %select_n3A_582 = arith.select %eq3A_580, %jit3A_581, %jit3A_578 : i32
        %rem3A_583 = arith.remsi %sub3A_550, %select_n3A_582 : i32
        %ne3A_584 = arith.constant 0 : i32
        %ne3A_585 = arith.cmpi ne, %rem3A_583, %ne3A_584 : i32
        %lt3A_586 = arith.constant 0 : i32
        %lt3A_587 = arith.cmpi slt, %rem3A_583, %lt3A_586 : i32
        %lt3A_588 = arith.constant 0 : i32
        %lt3A_589 = arith.cmpi slt, %select_n3A_582, %lt3A_588 : i32
        %ne3A_590 = arith.xori %lt3A_587, %lt3A_589 : i1
        %and3A_591 = arith.andi %ne3A_590, %ne3A_585 : i1
        %add3A_592 = arith.addi %rem3A_583, %select_n3A_582 : i32
        %select_n3A_593 = arith.select %and3A_591, %add3A_592, %rem3A_583 : i32
        %mul3A_594 = arith.constant 2 : i32
        %mul3A_595 = arith.muli %select_n3A_593, %mul3A_594 : i32
        %dma_wait3A_596 = arith.constant 0 : i32
        %dma_wait3A_597 = arith.constant 0 : i32
        %dma_wait3A_598 = arith.constant 0 : i32
        %dma_wait3A_599 = tpu.memref_slice %arg7[%cond3A_364, %dma_wait3A_596, %dma_wait3A_597, %dma_wait3A_598] : memref<4x2x32x50xf32, #tpu.memory_space<vmem>> -> memref<1x2x32x50xf32, #tpu.memory_space<vmem>>
        %dma_wait3A_600 = tpu.memref_squeeze %dma_wait3A_599 : memref<1x2x32x50xf32, #tpu.memory_space<vmem>> -> memref<2x32x50xf32, #tpu.memory_space<vmem>>
        %dma_wait3A_601 = arith.constant 0 : i32
        %dma_wait3A_602 = arith.constant 0 : i32
        %dma_wait3A_603 = tpu.memref_slice %arg4[%add3A_577, %mul3A_595, %dma_wait3A_601, %dma_wait3A_602] : memref<1024x26x32x50xf32, #tpu.memory_space<hbm>> -> memref<1x2x32x50xf32, #tpu.memory_space<hbm>>
        %dma_wait3A_604 = tpu.memref_squeeze %dma_wait3A_603 : memref<1x2x32x50xf32, #tpu.memory_space<hbm>> -> memref<2x32x50xf32, #tpu.memory_space<hbm>>
        %dma_wait3A_605 = arith.constant 0 : i32
        %dma_wait3A_606 = arith.constant 0 : i32
        %dma_wait3A_607 = tpu.memref_slice %arg4[%add3A_577, %mul3A_595, %dma_wait3A_605, %dma_wait3A_606] : memref<1024x26x32x50xf32, #tpu.memory_space<hbm>> -> memref<1x2x32x50xf32, #tpu.memory_space<hbm>>
        %dma_wait3A_608 = tpu.memref_squeeze %dma_wait3A_607 : memref<1x2x32x50xf32, #tpu.memory_space<hbm>> -> memref<2x32x50xf32, #tpu.memory_space<hbm>>
        %dma_wait3A_609 = arith.constant 0 : i32
        %dma_wait3A_610 = arith.constant 0 : i32
        %dma_wait3A_611 = arith.constant 0 : i32
        %dma_wait3A_612 = tpu.memref_slice %arg7[%cond3A_364, %dma_wait3A_609, %dma_wait3A_610, %dma_wait3A_611] : memref<4x2x32x50xf32, #tpu.memory_space<vmem>> -> memref<1x2x32x50xf32, #tpu.memory_space<vmem>>
        %dma_wait3A_613 = tpu.memref_squeeze %dma_wait3A_612 : memref<1x2x32x50xf32, #tpu.memory_space<vmem>> -> memref<2x32x50xf32, #tpu.memory_space<vmem>>
        tpu.wait_dma2 semaphore(%arg14 : memref<!tpu.dma_semaphore, #tpu.memory_space<semaphore_mem>>) src(%dma_wait3A_613 : memref<2x32x50xf32, #tpu.memory_space<vmem>>) dst(%dma_wait3A_608 : memref<2x32x50xf32, #tpu.memory_space<hbm>>)
      } else {
      }
      %scan3A_367 = arith.constant 2 : i32
      %scan3A_368 = arith.constant 2 : i32
      %scan3A_369 = arith.constant 0 : i32
      %scan3A_370 = arith.constant 0 : i32
      %scan3A_371 = arith.constant 50 : i32
      %scan3A_372 = arith.addi %scan3A_370, %scan3A_371 : i32
      %scan3A_373 = arith.constant 2 : i32
      %scan3A_374 = scf.for %scan3A_549 = %scan3A_370 to %scan3A_372 step %scan3A_373 iter_args(%scan3A_550 = %scan3A_369) -> (i32)  : i32 {
        %broadcast_in_dim3A = vector.broadcast %scan3A_549 : i32 to vector<16xi32>
        %add3A_551 = arith.constant 0 : i32
        %add3A_552 = arith.addi %add3A_551, %scan3A_549 : i32
        %broadcast_in_dim3A_553 = arith.constant 0 : i32
        %broadcast_in_dim3A_554 = vector.broadcast %broadcast_in_dim3A_553 : i32 to vector<16xi32>
        %get3A = arith.constant 0 : i32
        %get3A_555 = arith.constant 0 : i32
        %get3A_556 = tpu.memref_slice %arg6[%scan3A_367, %get3A, %get3A_555] : memref<4x100x32xf32, #tpu.memory_space<vmem>> -> memref<1x100x32xf32, #tpu.memory_space<vmem>>
        %get3A_557 = tpu.memref_squeeze %get3A_556 : memref<1x100x32xf32, #tpu.memory_space<vmem>> -> memref<100x32xf32, #tpu.memory_space<vmem>>
        %get3A_558 = arith.index_cast %add3A_552 : i32 to index
        %get3A_559 = arith.constant 0 : index
        %get3A_560 = tpu.vector_load %get3A_557[%get3A_558, %get3A_559] {strides = array<i32>} : memref<100x32xf32, #tpu.memory_space<vmem>>, vector<16xf32>,
        %get3A_561 = arith.constant 0 : i32
        %get3A_562 = arith.constant 0 : i32
        %get3A_563 = tpu.memref_slice %arg6[%scan3A_367, %get3A_561, %get3A_562] : memref<4x100x32xf32, #tpu.memory_space<vmem>> -> memref<1x100x32xf32, #tpu.memory_space<vmem>>
        %get3A_564 = tpu.memref_squeeze %get3A_563 : memref<1x100x32xf32, #tpu.memory_space<vmem>> -> memref<100x32xf32, #tpu.memory_space<vmem>>
        %get3A_565 = arith.index_cast %add3A_552 : i32 to index
        %get3A_566 = arith.constant 16 : index
        %get3A_567 = tpu.vector_load %get3A_564[%get3A_565, %get3A_566] {strides = array<i32>} : memref<100x32xf32, #tpu.memory_space<vmem>>, vector<16xf32>,
        %scatter3A = arith.constant 0 : i32
        %scatter3A_568 = arith.constant 0 : i32
        %scatter3A_569 = arith.constant 0 : i32
        %scatter3A_570 = tpu.memref_slice %arg7[%scan3A_368, %scatter3A, %scatter3A_568, %scatter3A_569] : memref<4x2x32x50xf32, #tpu.memory_space<vmem>> -> memref<1x2x32x50xf32, #tpu.memory_space<vmem>>
        %scatter3A_571 = tpu.memref_squeeze %scatter3A_570 : memref<1x2x32x50xf32, #tpu.memory_space<vmem>> -> memref<2x32x50xf32, #tpu.memory_space<vmem>>
        tpu.vector_store_idx %scatter3A_571[%broadcast_in_dim3A_554, %iota3A, %broadcast_in_dim3A], %get3A_560 : memref<2x32x50xf32, #tpu.memory_space<vmem>>[vector<16xi32>, vector<16xi32>, vector<16xi32>], vector<16xf32>,
        %add3A_572 = arith.constant 16 : i32
        %add3A_573 = vector.broadcast %add3A_572 : i32 to vector<16xi32>
        %add3A_574 = arith.addi %iota3A, %add3A_573 : vector<16xi32>
        %scatter3A_575 = arith.constant 0 : i32
        %scatter3A_576 = arith.constant 0 : i32
        %scatter3A_577 = arith.constant 0 : i32
        %scatter3A_578 = tpu.memref_slice %arg7[%scan3A_368, %scatter3A_575, %scatter3A_576, %scatter3A_577] : memref<4x2x32x50xf32, #tpu.memory_space<vmem>> -> memref<1x2x32x50xf32, #tpu.memory_space<vmem>>
        %scatter3A_579 = tpu.memref_squeeze %scatter3A_578 : memref<1x2x32x50xf32, #tpu.memory_space<vmem>> -> memref<2x32x50xf32, #tpu.memory_space<vmem>>
        tpu.vector_store_idx %scatter3A_579[%broadcast_in_dim3A_554, %add3A_574, %broadcast_in_dim3A], %get3A_567 : memref<2x32x50xf32, #tpu.memory_space<vmem>>[vector<16xi32>, vector<16xi32>, vector<16xi32>], vector<16xf32>,
        %add3A_580 = arith.constant 50 : i32
        %add3A_581 = arith.addi %add3A_580, %scan3A_549 : i32
        %broadcast_in_dim3A_582 = arith.constant 1 : i32
        %broadcast_in_dim3A_583 = vector.broadcast %broadcast_in_dim3A_582 : i32 to vector<16xi32>
        %get3A_584 = arith.constant 0 : i32
        %get3A_585 = arith.constant 0 : i32
        %get3A_586 = tpu.memref_slice %arg6[%scan3A_367, %get3A_584, %get3A_585] : memref<4x100x32xf32, #tpu.memory_space<vmem>> -> memref<1x100x32xf32, #tpu.memory_space<vmem>>
        %get3A_587 = tpu.memref_squeeze %get3A_586 : memref<1x100x32xf32, #tpu.memory_space<vmem>> -> memref<100x32xf32, #tpu.memory_space<vmem>>
        %get3A_588 = arith.index_cast %add3A_581 : i32 to index
        %get3A_589 = arith.constant 0 : index
        %get3A_590 = tpu.vector_load %get3A_587[%get3A_588, %get3A_589] {strides = array<i32>} : memref<100x32xf32, #tpu.memory_space<vmem>>, vector<16xf32>,
        %get3A_591 = arith.constant 0 : i32
        %get3A_592 = arith.constant 0 : i32
        %get3A_593 = tpu.memref_slice %arg6[%scan3A_367, %get3A_591, %get3A_592] : memref<4x100x32xf32, #tpu.memory_space<vmem>> -> memref<1x100x32xf32, #tpu.memory_space<vmem>>
        %get3A_594 = tpu.memref_squeeze %get3A_593 : memref<1x100x32xf32, #tpu.memory_space<vmem>> -> memref<100x32xf32, #tpu.memory_space<vmem>>
        %get3A_595 = arith.index_cast %add3A_581 : i32 to index
        %get3A_596 = arith.constant 16 : index
        %get3A_597 = tpu.vector_load %get3A_594[%get3A_595, %get3A_596] {strides = array<i32>} : memref<100x32xf32, #tpu.memory_space<vmem>>, vector<16xf32>,
        %scatter3A_598 = arith.constant 0 : i32
        %scatter3A_599 = arith.constant 0 : i32
        %scatter3A_600 = arith.constant 0 : i32
        %scatter3A_601 = tpu.memref_slice %arg7[%scan3A_368, %scatter3A_598, %scatter3A_599, %scatter3A_600] : memref<4x2x32x50xf32, #tpu.memory_space<vmem>> -> memref<1x2x32x50xf32, #tpu.memory_space<vmem>>
        %scatter3A_602 = tpu.memref_squeeze %scatter3A_601 : memref<1x2x32x50xf32, #tpu.memory_space<vmem>> -> memref<2x32x50xf32, #tpu.memory_space<vmem>>
        tpu.vector_store_idx %scatter3A_602[%broadcast_in_dim3A_583, %iota3A, %broadcast_in_dim3A], %get3A_590 : memref<2x32x50xf32, #tpu.memory_space<vmem>>[vector<16xi32>, vector<16xi32>, vector<16xi32>], vector<16xf32>,
        %add3A_603 = arith.constant 16 : i32
        %add3A_604 = vector.broadcast %add3A_603 : i32 to vector<16xi32>
        %add3A_605 = arith.addi %iota3A, %add3A_604 : vector<16xi32>
        %scatter3A_606 = arith.constant 0 : i32
        %scatter3A_607 = arith.constant 0 : i32
        %scatter3A_608 = arith.constant 0 : i32
        %scatter3A_609 = tpu.memref_slice %arg7[%scan3A_368, %scatter3A_606, %scatter3A_607, %scatter3A_608] : memref<4x2x32x50xf32, #tpu.memory_space<vmem>> -> memref<1x2x32x50xf32, #tpu.memory_space<vmem>>
        %scatter3A_610 = tpu.memref_squeeze %scatter3A_609 : memref<1x2x32x50xf32, #tpu.memory_space<vmem>> -> memref<2x32x50xf32, #tpu.memory_space<vmem>>
        tpu.vector_store_idx %scatter3A_610[%broadcast_in_dim3A_583, %add3A_605, %broadcast_in_dim3A], %get3A_597 : memref<2x32x50xf32, #tpu.memory_space<vmem>>[vector<16xi32>, vector<16xi32>, vector<16xi32>], vector<16xf32>,
        %scan3A_611 = arith.constant 0 : i32
        %scan3A_612 = arith.constant 1 : i32
        %scan3A_613 = arith.addi %scan3A_549, %scan3A_612 : i32
        %broadcast_in_dim3A_614 = vector.broadcast %scan3A_613 : i32 to vector<16xi32>
        %add3A_615 = arith.constant 0 : i32
        %add3A_616 = arith.addi %add3A_615, %scan3A_613 : i32
        %broadcast_in_dim3A_617 = arith.constant 0 : i32
        %broadcast_in_dim3A_618 = vector.broadcast %broadcast_in_dim3A_617 : i32 to vector<16xi32>
        %get3A_619 = arith.constant 0 : i32
        %get3A_620 = arith.constant 0 : i32
        %get3A_621 = tpu.memref_slice %arg6[%scan3A_367, %get3A_619, %get3A_620] : memref<4x100x32xf32, #tpu.memory_space<vmem>> -> memref<1x100x32xf32, #tpu.memory_space<vmem>>
        %get3A_622 = tpu.memref_squeeze %get3A_621 : memref<1x100x32xf32, #tpu.memory_space<vmem>> -> memref<100x32xf32, #tpu.memory_space<vmem>>
        %get3A_623 = arith.index_cast %add3A_616 : i32 to index
        %get3A_624 = arith.constant 0 : index
        %get3A_625 = tpu.vector_load %get3A_622[%get3A_623, %get3A_624] {strides = array<i32>} : memref<100x32xf32, #tpu.memory_space<vmem>>, vector<16xf32>,
        %get3A_626 = arith.constant 0 : i32
        %get3A_627 = arith.constant 0 : i32
        %get3A_628 = tpu.memref_slice %arg6[%scan3A_367, %get3A_626, %get3A_627] : memref<4x100x32xf32, #tpu.memory_space<vmem>> -> memref<1x100x32xf32, #tpu.memory_space<vmem>>
        %get3A_629 = tpu.memref_squeeze %get3A_628 : memref<1x100x32xf32, #tpu.memory_space<vmem>> -> memref<100x32xf32, #tpu.memory_space<vmem>>
        %get3A_630 = arith.index_cast %add3A_616 : i32 to index
        %get3A_631 = arith.constant 16 : index
        %get3A_632 = tpu.vector_load %get3A_629[%get3A_630, %get3A_631] {strides = array<i32>} : memref<100x32xf32, #tpu.memory_space<vmem>>, vector<16xf32>,
        %scatter3A_633 = arith.constant 0 : i32
        %scatter3A_634 = arith.constant 0 : i32
        %scatter3A_635 = arith.constant 0 : i32
        %scatter3A_636 = tpu.memref_slice %arg7[%scan3A_368, %scatter3A_633, %scatter3A_634, %scatter3A_635] : memref<4x2x32x50xf32, #tpu.memory_space<vmem>> -> memref<1x2x32x50xf32, #tpu.memory_space<vmem>>
        %scatter3A_637 = tpu.memref_squeeze %scatter3A_636 : memref<1x2x32x50xf32, #tpu.memory_space<vmem>> -> memref<2x32x50xf32, #tpu.memory_space<vmem>>
        tpu.vector_store_idx %scatter3A_637[%broadcast_in_dim3A_618, %iota3A, %broadcast_in_dim3A_614], %get3A_625 : memref<2x32x50xf32, #tpu.memory_space<vmem>>[vector<16xi32>, vector<16xi32>, vector<16xi32>], vector<16xf32>,
        %add3A_638 = arith.constant 16 : i32
        %add3A_639 = vector.broadcast %add3A_638 : i32 to vector<16xi32>
        %add3A_640 = arith.addi %iota3A, %add3A_639 : vector<16xi32>
        %scatter3A_641 = arith.constant 0 : i32
        %scatter3A_642 = arith.constant 0 : i32
        %scatter3A_643 = arith.constant 0 : i32
        %scatter3A_644 = tpu.memref_slice %arg7[%scan3A_368, %scatter3A_641, %scatter3A_642, %scatter3A_643] : memref<4x2x32x50xf32, #tpu.memory_space<vmem>> -> memref<1x2x32x50xf32, #tpu.memory_space<vmem>>
        %scatter3A_645 = tpu.memref_squeeze %scatter3A_644 : memref<1x2x32x50xf32, #tpu.memory_space<vmem>> -> memref<2x32x50xf32, #tpu.memory_space<vmem>>
        tpu.vector_store_idx %scatter3A_645[%broadcast_in_dim3A_618, %add3A_640, %broadcast_in_dim3A_614], %get3A_632 : memref<2x32x50xf32, #tpu.memory_space<vmem>>[vector<16xi32>, vector<16xi32>, vector<16xi32>], vector<16xf32>,
        %add3A_646 = arith.constant 50 : i32
        %add3A_647 = arith.addi %add3A_646, %scan3A_613 : i32
        %broadcast_in_dim3A_648 = arith.constant 1 : i32
        %broadcast_in_dim3A_649 = vector.broadcast %broadcast_in_dim3A_648 : i32 to vector<16xi32>
        %get3A_650 = arith.constant 0 : i32
        %get3A_651 = arith.constant 0 : i32
        %get3A_652 = tpu.memref_slice %arg6[%scan3A_367, %get3A_650, %get3A_651] : memref<4x100x32xf32, #tpu.memory_space<vmem>> -> memref<1x100x32xf32, #tpu.memory_space<vmem>>
        %get3A_653 = tpu.memref_squeeze %get3A_652 : memref<1x100x32xf32, #tpu.memory_space<vmem>> -> memref<100x32xf32, #tpu.memory_space<vmem>>
        %get3A_654 = arith.index_cast %add3A_647 : i32 to index
        %get3A_655 = arith.constant 0 : index
        %get3A_656 = tpu.vector_load %get3A_653[%get3A_654, %get3A_655] {strides = array<i32>} : memref<100x32xf32, #tpu.memory_space<vmem>>, vector<16xf32>,
        %get3A_657 = arith.constant 0 : i32
        %get3A_658 = arith.constant 0 : i32
        %get3A_659 = tpu.memref_slice %arg6[%scan3A_367, %get3A_657, %get3A_658] : memref<4x100x32xf32, #tpu.memory_space<vmem>> -> memref<1x100x32xf32, #tpu.memory_space<vmem>>
        %get3A_660 = tpu.memref_squeeze %get3A_659 : memref<1x100x32xf32, #tpu.memory_space<vmem>> -> memref<100x32xf32, #tpu.memory_space<vmem>>
        %get3A_661 = arith.index_cast %add3A_647 : i32 to index
        %get3A_662 = arith.constant 16 : index
        %get3A_663 = tpu.vector_load %get3A_660[%get3A_661, %get3A_662] {strides = array<i32>} : memref<100x32xf32, #tpu.memory_space<vmem>>, vector<16xf32>,
        %scatter3A_664 = arith.constant 0 : i32
        %scatter3A_665 = arith.constant 0 : i32
        %scatter3A_666 = arith.constant 0 : i32
        %scatter3A_667 = tpu.memref_slice %arg7[%scan3A_368, %scatter3A_664, %scatter3A_665, %scatter3A_666] : memref<4x2x32x50xf32, #tpu.memory_space<vmem>> -> memref<1x2x32x50xf32, #tpu.memory_space<vmem>>
        %scatter3A_668 = tpu.memref_squeeze %scatter3A_667 : memref<1x2x32x50xf32, #tpu.memory_space<vmem>> -> memref<2x32x50xf32, #tpu.memory_space<vmem>>
        tpu.vector_store_idx %scatter3A_668[%broadcast_in_dim3A_649, %iota3A, %broadcast_in_dim3A_614], %get3A_656 : memref<2x32x50xf32, #tpu.memory_space<vmem>>[vector<16xi32>, vector<16xi32>, vector<16xi32>], vector<16xf32>,
        %add3A_669 = arith.constant 16 : i32
        %add3A_670 = vector.broadcast %add3A_669 : i32 to vector<16xi32>
        %add3A_671 = arith.addi %iota3A, %add3A_670 : vector<16xi32>
        %scatter3A_672 = arith.constant 0 : i32
        %scatter3A_673 = arith.constant 0 : i32
        %scatter3A_674 = arith.constant 0 : i32
        %scatter3A_675 = tpu.memref_slice %arg7[%scan3A_368, %scatter3A_672, %scatter3A_673, %scatter3A_674] : memref<4x2x32x50xf32, #tpu.memory_space<vmem>> -> memref<1x2x32x50xf32, #tpu.memory_space<vmem>>
        %scatter3A_676 = tpu.memref_squeeze %scatter3A_675 : memref<1x2x32x50xf32, #tpu.memory_space<vmem>> -> memref<2x32x50xf32, #tpu.memory_space<vmem>>
        tpu.vector_store_idx %scatter3A_676[%broadcast_in_dim3A_649, %add3A_671, %broadcast_in_dim3A_614], %get3A_663 : memref<2x32x50xf32, #tpu.memory_space<vmem>>[vector<16xi32>, vector<16xi32>, vector<16xi32>], vector<16xf32>,
        %scan3A_677 = arith.constant 0 : i32
        scf.yield %scan3A_677 : i32
      }
      %scan3A_375 = arith.constant 50 : i32
      %add3A_376 = arith.constant 4 : i32
      %add3A_377 = arith.addi %add3A_349, %add3A_376 : i32
      %lt3A_378 = arith.constant 416 : i32
      %lt3A_379 = arith.cmpi slt, %add3A_377, %lt3A_378 : i32
      %convert_element_type3A_380 = arith.extui %lt3A_379 : i1 to i32
      %cond3A_381 = arith.constant 0 : i32
      %cond3A_382 = arith.cmpi ne, %convert_element_type3A_380, %cond3A_381 : i32
      scf.if %cond3A_382 {
        %add3A_549 = arith.constant 4 : i32
        %add3A_550 = arith.addi %add3A_349, %add3A_549 : i32
        %dma_start3A_551 = arith.constant 2 : i32
        %dma_start3A_552 = arith.constant 0 : i32
        %dma_start3A_553 = arith.constant 0 : i32
        %dma_start3A_554 = tpu.memref_slice %arg6[%dma_start3A_551, %dma_start3A_552, %dma_start3A_553] : memref<4x100x32xf32, #tpu.memory_space<vmem>> -> memref<1x100x32xf32, #tpu.memory_space<vmem>>
        %dma_start3A_555 = tpu.memref_squeeze %dma_start3A_554 : memref<1x100x32xf32, #tpu.memory_space<vmem>> -> memref<100x32xf32, #tpu.memory_space<vmem>>
        %dma_start3A_556 = arith.constant 0 : i32
        %dma_start3A_557 = tpu.memref_slice %arg5[%add3A_550, %dma_start3A_556] : memref<416x100xi32, #tpu.memory_space<vmem>> -> memref<1x100xi32, #tpu.memory_space<vmem>>
        %dma_start3A_558 = tpu.memref_squeeze %dma_start3A_557 : memref<1x100xi32, #tpu.memory_space<vmem>> -> memref<100xi32, #tpu.memory_space<vmem>>
        %dma_start3A_559 = arith.constant 0 : i32
        %dma_start3A_560 = arith.constant 0 : i32
        %dma_start3A_561 = tpu.memref_slice %arg3[%dma_start3A_559, %dma_start3A_560] : memref<1000000x32xf32, #tpu.memory_space<hbm>> -> memref<1000000x32xf32, #tpu.memory_space<hbm>>
        tpu.enqueue_indirect_dma source(%dma_start3A_561 : memref<1000000x32xf32, #tpu.memory_space<hbm>>) target(%dma_start3A_555 : memref<100x32xf32, #tpu.memory_space<vmem>>) offsets(%dma_start3A_558 : memref<100xi32, #tpu.memory_space<vmem>>) semaphore(%arg10 : memref<!tpu.dma_semaphore, #tpu.memory_space<semaphore_mem>>)
      } else {
      }
      %mul3A_383 = arith.constant 32 : i32
      %mul3A_384 = arith.muli %add3A, %mul3A_383 : i32
      %jit3A_385 = arith.constant 13 : i32
      %div3A_386 = arith.divsi %add3A_349, %jit3A_385 : i32
      %sign3A_387 = arith.constant 0 : i32
      %sign3A_388 = arith.cmpi sgt, %add3A_349, %sign3A_387 : i32
      %sign3A_389 = arith.extui %sign3A_388 : i1 to i32
      %sign3A_390 = arith.constant 0 : i32
      %sign3A_391 = arith.cmpi slt, %add3A_349, %sign3A_390 : i32
      %sign3A_392 = arith.extui %sign3A_391 : i1 to i32
      %sign3A_393 = arith.subi %sign3A_389, %sign3A_392 : i32
      %sign3A_394 = arith.constant 0 : i32
      %sign3A_395 = arith.cmpi sgt, %jit3A_385, %sign3A_394 : i32
      %sign3A_396 = arith.extui %sign3A_395 : i1 to i32
      %sign3A_397 = arith.constant 0 : i32
      %sign3A_398 = arith.cmpi slt, %jit3A_385, %sign3A_397 : i32
      %sign3A_399 = arith.extui %sign3A_398 : i1 to i32
      %sign3A_400 = arith.subi %sign3A_396, %sign3A_399 : i32
      %ne3A_401 = arith.cmpi ne, %sign3A_393, %sign3A_400 : i32
      %rem3A_402 = arith.remsi %add3A_349, %jit3A_385 : i32
      %ne3A_403 = arith.constant 0 : i32
      %ne3A_404 = arith.cmpi ne, %rem3A_402, %ne3A_403 : i32
      %and3A_405 = arith.andi %ne3A_401, %ne3A_404 : i1
      %sub3A_406 = arith.constant 1 : i32
      %sub3A_407 = arith.subi %div3A_386, %sub3A_406 : i32
      %select_n3A_408 = arith.select %and3A_405, %sub3A_407, %div3A_386 : i32
      %add3A_409 = arith.addi %mul3A_384, %select_n3A_408 : i32
      %jit3A_410 = arith.constant 13 : i32
      %eq3A_411 = arith.constant 0 : i32
      %eq3A_412 = arith.cmpi eq, %jit3A_410, %eq3A_411 : i32
      %jit3A_413 = arith.constant 1 : i32
      %select_n3A_414 = arith.select %eq3A_412, %jit3A_413, %jit3A_410 : i32
      %rem3A_415 = arith.remsi %add3A_349, %select_n3A_414 : i32
      %ne3A_416 = arith.constant 0 : i32
      %ne3A_417 = arith.cmpi ne, %rem3A_415, %ne3A_416 : i32
      %lt3A_418 = arith.constant 0 : i32
      %lt3A_419 = arith.cmpi slt, %rem3A_415, %lt3A_418 : i32
      %lt3A_420 = arith.constant 0 : i32
      %lt3A_421 = arith.cmpi slt, %select_n3A_414, %lt3A_420 : i32
      %ne3A_422 = arith.xori %lt3A_419, %lt3A_421 : i1
      %and3A_423 = arith.andi %ne3A_422, %ne3A_417 : i1
      %add3A_424 = arith.addi %rem3A_415, %select_n3A_414 : i32
      %select_n3A_425 = arith.select %and3A_423, %add3A_424, %rem3A_415 : i32
      %mul3A_426 = arith.constant 2 : i32
      %mul3A_427 = arith.muli %select_n3A_425, %mul3A_426 : i32
      %dma_start3A_428 = arith.constant 2 : i32
      %dma_start3A_429 = arith.constant 0 : i32
      %dma_start3A_430 = arith.constant 0 : i32
      %dma_start3A_431 = arith.constant 0 : i32
      %dma_start3A_432 = tpu.memref_slice %arg7[%dma_start3A_428, %dma_start3A_429, %dma_start3A_430, %dma_start3A_431] : memref<4x2x32x50xf32, #tpu.memory_space<vmem>> -> memref<1x2x32x50xf32, #tpu.memory_space<vmem>>
      %dma_start3A_433 = tpu.memref_squeeze %dma_start3A_432 : memref<1x2x32x50xf32, #tpu.memory_space<vmem>> -> memref<2x32x50xf32, #tpu.memory_space<vmem>>
      %dma_start3A_434 = arith.constant 0 : i32
      %dma_start3A_435 = arith.constant 0 : i32
      %dma_start3A_436 = tpu.memref_slice %arg4[%add3A_409, %mul3A_427, %dma_start3A_434, %dma_start3A_435] : memref<1024x26x32x50xf32, #tpu.memory_space<hbm>> -> memref<1x2x32x50xf32, #tpu.memory_space<hbm>>
      %dma_start3A_437 = tpu.memref_squeeze %dma_start3A_436 : memref<1x2x32x50xf32, #tpu.memory_space<hbm>> -> memref<2x32x50xf32, #tpu.memory_space<hbm>>
      %dma_start3A_438 = arith.constant 0 : i32
      %dma_start3A_439 = arith.constant 0 : i32
      %dma_start3A_440 = tpu.memref_slice %arg4[%add3A_409, %mul3A_427, %dma_start3A_438, %dma_start3A_439] : memref<1024x26x32x50xf32, #tpu.memory_space<hbm>> -> memref<1x2x32x50xf32, #tpu.memory_space<hbm>>
      %dma_start3A_441 = tpu.memref_squeeze %dma_start3A_440 : memref<1x2x32x50xf32, #tpu.memory_space<hbm>> -> memref<2x32x50xf32, #tpu.memory_space<hbm>>
      %dma_start3A_442 = arith.constant 0 : i32
      %dma_start3A_443 = arith.constant 0 : i32
      %dma_start3A_444 = arith.constant 0 : i32
      %dma_start3A_445 = tpu.memref_slice %arg7[%dma_start3A_428, %dma_start3A_442, %dma_start3A_443, %dma_start3A_444] : memref<4x2x32x50xf32, #tpu.memory_space<vmem>> -> memref<1x2x32x50xf32, #tpu.memory_space<vmem>>
      %dma_start3A_446 = tpu.memref_squeeze %dma_start3A_445 : memref<1x2x32x50xf32, #tpu.memory_space<vmem>> -> memref<2x32x50xf32, #tpu.memory_space<vmem>>
      tpu.enqueue_dma source(%dma_start3A_446 : memref<2x32x50xf32, #tpu.memory_space<vmem>>) target(%dma_start3A_441 : memref<2x32x50xf32, #tpu.memory_space<hbm>>) target_semaphore(%arg14 : memref<!tpu.dma_semaphore, #tpu.memory_space<semaphore_mem>>)
      %mul3A_447 = arith.constant 4 : i32
      %mul3A_448 = arith.muli %scan3A_155, %mul3A_447 : i32
      %add3A_449 = arith.constant 3 : i32
      %add3A_450 = arith.addi %mul3A_448, %add3A_449 : i32
      %dma_wait3A_451 = arith.constant 3 : i32
      %dma_wait3A_452 = arith.constant 0 : i32
      %dma_wait3A_453 = arith.constant 0 : i32
      %dma_wait3A_454 = tpu.memref_slice %arg6[%dma_wait3A_451, %dma_wait3A_452, %dma_wait3A_453] : memref<4x100x32xf32, #tpu.memory_space<vmem>> -> memref<1x100x32xf32, #tpu.memory_space<vmem>>
      %dma_wait3A_455 = tpu.memref_squeeze %dma_wait3A_454 : memref<1x100x32xf32, #tpu.memory_space<vmem>> -> memref<100x32xf32, #tpu.memory_space<vmem>>
      %dma_wait3A_456 = arith.constant 0 : i32
      %dma_wait3A_457 = tpu.memref_slice %arg5[%add3A_450, %dma_wait3A_456] : memref<416x100xi32, #tpu.memory_space<vmem>> -> memref<1x100xi32, #tpu.memory_space<vmem>>
      %dma_wait3A_458 = tpu.memref_squeeze %dma_wait3A_457 : memref<1x100xi32, #tpu.memory_space<vmem>> -> memref<100xi32, #tpu.memory_space<vmem>>
      %dma_wait3A_459 = arith.constant 0 : i32
      %dma_wait3A_460 = arith.constant 0 : i32
      %dma_wait3A_461 = tpu.memref_slice %arg3[%dma_wait3A_459, %dma_wait3A_460] : memref<1000000x32xf32, #tpu.memory_space<hbm>> -> memref<1000000x32xf32, #tpu.memory_space<hbm>>
      tpu.wait_indirect_dma semaphore(%arg11 : memref<!tpu.dma_semaphore, #tpu.memory_space<semaphore_mem>>) src(%dma_wait3A_461 : memref<1000000x32xf32, #tpu.memory_space<hbm>>) dst(%dma_wait3A_455 : memref<100x32xf32, #tpu.memory_space<vmem>>)
      %gt3A_462 = arith.constant 0 : i32
      %gt3A_463 = arith.cmpi sgt, %scan3A_155, %gt3A_462 : i32
      %convert_element_type3A_464 = arith.extui %gt3A_463 : i1 to i32
      %cond3A_465 = arith.constant 3 : i32
      %cond3A_466 = arith.constant 0 : i32
      %cond3A_467 = arith.cmpi ne, %convert_element_type3A_464, %cond3A_466 : i32
      scf.if %cond3A_467 {
        %sub3A_549 = arith.constant 4 : i32
        %sub3A_550 = arith.subi %add3A_450, %sub3A_549 : i32
        %mul3A_551 = arith.constant 32 : i32
        %mul3A_552 = arith.muli %add3A, %mul3A_551 : i32
        %jit3A_553 = arith.constant 13 : i32
        %div3A_554 = arith.divsi %sub3A_550, %jit3A_553 : i32
        %sign3A_555 = arith.constant 0 : i32
        %sign3A_556 = arith.cmpi sgt, %sub3A_550, %sign3A_555 : i32
        %sign3A_557 = arith.extui %sign3A_556 : i1 to i32
        %sign3A_558 = arith.constant 0 : i32
        %sign3A_559 = arith.cmpi slt, %sub3A_550, %sign3A_558 : i32
        %sign3A_560 = arith.extui %sign3A_559 : i1 to i32
        %sign3A_561 = arith.subi %sign3A_557, %sign3A_560 : i32
        %sign3A_562 = arith.constant 0 : i32
        %sign3A_563 = arith.cmpi sgt, %jit3A_553, %sign3A_562 : i32
        %sign3A_564 = arith.extui %sign3A_563 : i1 to i32
        %sign3A_565 = arith.constant 0 : i32
        %sign3A_566 = arith.cmpi slt, %jit3A_553, %sign3A_565 : i32
        %sign3A_567 = arith.extui %sign3A_566 : i1 to i32
        %sign3A_568 = arith.subi %sign3A_564, %sign3A_567 : i32
        %ne3A_569 = arith.cmpi ne, %sign3A_561, %sign3A_568 : i32
        %rem3A_570 = arith.remsi %sub3A_550, %jit3A_553 : i32
        %ne3A_571 = arith.constant 0 : i32
        %ne3A_572 = arith.cmpi ne, %rem3A_570, %ne3A_571 : i32
        %and3A_573 = arith.andi %ne3A_569, %ne3A_572 : i1
        %sub3A_574 = arith.constant 1 : i32
        %sub3A_575 = arith.subi %div3A_554, %sub3A_574 : i32
        %select_n3A_576 = arith.select %and3A_573, %sub3A_575, %div3A_554 : i32
        %add3A_577 = arith.addi %mul3A_552, %select_n3A_576 : i32
        %jit3A_578 = arith.constant 13 : i32
        %eq3A_579 = arith.constant 0 : i32
        %eq3A_580 = arith.cmpi eq, %jit3A_578, %eq3A_579 : i32
        %jit3A_581 = arith.constant 1 : i32
        %select_n3A_582 = arith.select %eq3A_580, %jit3A_581, %jit3A_578 : i32
        %rem3A_583 = arith.remsi %sub3A_550, %select_n3A_582 : i32
        %ne3A_584 = arith.constant 0 : i32
        %ne3A_585 = arith.cmpi ne, %rem3A_583, %ne3A_584 : i32
        %lt3A_586 = arith.constant 0 : i32
        %lt3A_587 = arith.cmpi slt, %rem3A_583, %lt3A_586 : i32
        %lt3A_588 = arith.constant 0 : i32
        %lt3A_589 = arith.cmpi slt, %select_n3A_582, %lt3A_588 : i32
        %ne3A_590 = arith.xori %lt3A_587, %lt3A_589 : i1
        %and3A_591 = arith.andi %ne3A_590, %ne3A_585 : i1
        %add3A_592 = arith.addi %rem3A_583, %select_n3A_582 : i32
        %select_n3A_593 = arith.select %and3A_591, %add3A_592, %rem3A_583 : i32
        %mul3A_594 = arith.constant 2 : i32
        %mul3A_595 = arith.muli %select_n3A_593, %mul3A_594 : i32
        %dma_wait3A_596 = arith.constant 0 : i32
        %dma_wait3A_597 = arith.constant 0 : i32
        %dma_wait3A_598 = arith.constant 0 : i32
        %dma_wait3A_599 = tpu.memref_slice %arg7[%cond3A_465, %dma_wait3A_596, %dma_wait3A_597, %dma_wait3A_598] : memref<4x2x32x50xf32, #tpu.memory_space<vmem>> -> memref<1x2x32x50xf32, #tpu.memory_space<vmem>>
        %dma_wait3A_600 = tpu.memref_squeeze %dma_wait3A_599 : memref<1x2x32x50xf32, #tpu.memory_space<vmem>> -> memref<2x32x50xf32, #tpu.memory_space<vmem>>
        %dma_wait3A_601 = arith.constant 0 : i32
        %dma_wait3A_602 = arith.constant 0 : i32
        %dma_wait3A_603 = tpu.memref_slice %arg4[%add3A_577, %mul3A_595, %dma_wait3A_601, %dma_wait3A_602] : memref<1024x26x32x50xf32, #tpu.memory_space<hbm>> -> memref<1x2x32x50xf32, #tpu.memory_space<hbm>>
        %dma_wait3A_604 = tpu.memref_squeeze %dma_wait3A_603 : memref<1x2x32x50xf32, #tpu.memory_space<hbm>> -> memref<2x32x50xf32, #tpu.memory_space<hbm>>
        %dma_wait3A_605 = arith.constant 0 : i32
        %dma_wait3A_606 = arith.constant 0 : i32
        %dma_wait3A_607 = tpu.memref_slice %arg4[%add3A_577, %mul3A_595, %dma_wait3A_605, %dma_wait3A_606] : memref<1024x26x32x50xf32, #tpu.memory_space<hbm>> -> memref<1x2x32x50xf32, #tpu.memory_space<hbm>>
        %dma_wait3A_608 = tpu.memref_squeeze %dma_wait3A_607 : memref<1x2x32x50xf32, #tpu.memory_space<hbm>> -> memref<2x32x50xf32, #tpu.memory_space<hbm>>
        %dma_wait3A_609 = arith.constant 0 : i32
        %dma_wait3A_610 = arith.constant 0 : i32
        %dma_wait3A_611 = arith.constant 0 : i32
        %dma_wait3A_612 = tpu.memref_slice %arg7[%cond3A_465, %dma_wait3A_609, %dma_wait3A_610, %dma_wait3A_611] : memref<4x2x32x50xf32, #tpu.memory_space<vmem>> -> memref<1x2x32x50xf32, #tpu.memory_space<vmem>>
        %dma_wait3A_613 = tpu.memref_squeeze %dma_wait3A_612 : memref<1x2x32x50xf32, #tpu.memory_space<vmem>> -> memref<2x32x50xf32, #tpu.memory_space<vmem>>
        tpu.wait_dma2 semaphore(%arg15 : memref<!tpu.dma_semaphore, #tpu.memory_space<semaphore_mem>>) src(%dma_wait3A_613 : memref<2x32x50xf32, #tpu.memory_space<vmem>>) dst(%dma_wait3A_608 : memref<2x32x50xf32, #tpu.memory_space<hbm>>)
      } else {
      }
      %scan3A_468 = arith.constant 3 : i32
      %scan3A_469 = arith.constant 3 : i32
      %scan3A_470 = arith.constant 0 : i32
      %scan3A_471 = arith.constant 0 : i32
      %scan3A_472 = arith.constant 50 : i32
      %scan3A_473 = arith.addi %scan3A_471, %scan3A_472 : i32
      %scan3A_474 = arith.constant 2 : i32
      %scan3A_475 = scf.for %scan3A_549 = %scan3A_471 to %scan3A_473 step %scan3A_474 iter_args(%scan3A_550 = %scan3A_470) -> (i32)  : i32 {
        %broadcast_in_dim3A = vector.broadcast %scan3A_549 : i32 to vector<16xi32>
        %add3A_551 = arith.constant 0 : i32
        %add3A_552 = arith.addi %add3A_551, %scan3A_549 : i32
        %broadcast_in_dim3A_553 = arith.constant 0 : i32
        %broadcast_in_dim3A_554 = vector.broadcast %broadcast_in_dim3A_553 : i32 to vector<16xi32>
        %get3A = arith.constant 0 : i32
        %get3A_555 = arith.constant 0 : i32
        %get3A_556 = tpu.memref_slice %arg6[%scan3A_468, %get3A, %get3A_555] : memref<4x100x32xf32, #tpu.memory_space<vmem>> -> memref<1x100x32xf32, #tpu.memory_space<vmem>>
        %get3A_557 = tpu.memref_squeeze %get3A_556 : memref<1x100x32xf32, #tpu.memory_space<vmem>> -> memref<100x32xf32, #tpu.memory_space<vmem>>
        %get3A_558 = arith.index_cast %add3A_552 : i32 to index
        %get3A_559 = arith.constant 0 : index
        %get3A_560 = tpu.vector_load %get3A_557[%get3A_558, %get3A_559] {strides = array<i32>} : memref<100x32xf32, #tpu.memory_space<vmem>>, vector<16xf32>,
        %get3A_561 = arith.constant 0 : i32
        %get3A_562 = arith.constant 0 : i32
        %get3A_563 = tpu.memref_slice %arg6[%scan3A_468, %get3A_561, %get3A_562] : memref<4x100x32xf32, #tpu.memory_space<vmem>> -> memref<1x100x32xf32, #tpu.memory_space<vmem>>
        %get3A_564 = tpu.memref_squeeze %get3A_563 : memref<1x100x32xf32, #tpu.memory_space<vmem>> -> memref<100x32xf32, #tpu.memory_space<vmem>>
        %get3A_565 = arith.index_cast %add3A_552 : i32 to index
        %get3A_566 = arith.constant 16 : index
        %get3A_567 = tpu.vector_load %get3A_564[%get3A_565, %get3A_566] {strides = array<i32>} : memref<100x32xf32, #tpu.memory_space<vmem>>, vector<16xf32>,
        %scatter3A = arith.constant 0 : i32
        %scatter3A_568 = arith.constant 0 : i32
        %scatter3A_569 = arith.constant 0 : i32
        %scatter3A_570 = tpu.memref_slice %arg7[%scan3A_469, %scatter3A, %scatter3A_568, %scatter3A_569] : memref<4x2x32x50xf32, #tpu.memory_space<vmem>> -> memref<1x2x32x50xf32, #tpu.memory_space<vmem>>
        %scatter3A_571 = tpu.memref_squeeze %scatter3A_570 : memref<1x2x32x50xf32, #tpu.memory_space<vmem>> -> memref<2x32x50xf32, #tpu.memory_space<vmem>>
        tpu.vector_store_idx %scatter3A_571[%broadcast_in_dim3A_554, %iota3A, %broadcast_in_dim3A], %get3A_560 : memref<2x32x50xf32, #tpu.memory_space<vmem>>[vector<16xi32>, vector<16xi32>, vector<16xi32>], vector<16xf32>,
        %add3A_572 = arith.constant 16 : i32
        %add3A_573 = vector.broadcast %add3A_572 : i32 to vector<16xi32>
        %add3A_574 = arith.addi %iota3A, %add3A_573 : vector<16xi32>
        %scatter3A_575 = arith.constant 0 : i32
        %scatter3A_576 = arith.constant 0 : i32
        %scatter3A_577 = arith.constant 0 : i32
        %scatter3A_578 = tpu.memref_slice %arg7[%scan3A_469, %scatter3A_575, %scatter3A_576, %scatter3A_577] : memref<4x2x32x50xf32, #tpu.memory_space<vmem>> -> memref<1x2x32x50xf32, #tpu.memory_space<vmem>>
        %scatter3A_579 = tpu.memref_squeeze %scatter3A_578 : memref<1x2x32x50xf32, #tpu.memory_space<vmem>> -> memref<2x32x50xf32, #tpu.memory_space<vmem>>
        tpu.vector_store_idx %scatter3A_579[%broadcast_in_dim3A_554, %add3A_574, %broadcast_in_dim3A], %get3A_567 : memref<2x32x50xf32, #tpu.memory_space<vmem>>[vector<16xi32>, vector<16xi32>, vector<16xi32>], vector<16xf32>,
        %add3A_580 = arith.constant 50 : i32
        %add3A_581 = arith.addi %add3A_580, %scan3A_549 : i32
        %broadcast_in_dim3A_582 = arith.constant 1 : i32
        %broadcast_in_dim3A_583 = vector.broadcast %broadcast_in_dim3A_582 : i32 to vector<16xi32>
        %get3A_584 = arith.constant 0 : i32
        %get3A_585 = arith.constant 0 : i32
        %get3A_586 = tpu.memref_slice %arg6[%scan3A_468, %get3A_584, %get3A_585] : memref<4x100x32xf32, #tpu.memory_space<vmem>> -> memref<1x100x32xf32, #tpu.memory_space<vmem>>
        %get3A_587 = tpu.memref_squeeze %get3A_586 : memref<1x100x32xf32, #tpu.memory_space<vmem>> -> memref<100x32xf32, #tpu.memory_space<vmem>>
        %get3A_588 = arith.index_cast %add3A_581 : i32 to index
        %get3A_589 = arith.constant 0 : index
        %get3A_590 = tpu.vector_load %get3A_587[%get3A_588, %get3A_589] {strides = array<i32>} : memref<100x32xf32, #tpu.memory_space<vmem>>, vector<16xf32>,
        %get3A_591 = arith.constant 0 : i32
        %get3A_592 = arith.constant 0 : i32
        %get3A_593 = tpu.memref_slice %arg6[%scan3A_468, %get3A_591, %get3A_592] : memref<4x100x32xf32, #tpu.memory_space<vmem>> -> memref<1x100x32xf32, #tpu.memory_space<vmem>>
        %get3A_594 = tpu.memref_squeeze %get3A_593 : memref<1x100x32xf32, #tpu.memory_space<vmem>> -> memref<100x32xf32, #tpu.memory_space<vmem>>
        %get3A_595 = arith.index_cast %add3A_581 : i32 to index
        %get3A_596 = arith.constant 16 : index
        %get3A_597 = tpu.vector_load %get3A_594[%get3A_595, %get3A_596] {strides = array<i32>} : memref<100x32xf32, #tpu.memory_space<vmem>>, vector<16xf32>,
        %scatter3A_598 = arith.constant 0 : i32
        %scatter3A_599 = arith.constant 0 : i32
        %scatter3A_600 = arith.constant 0 : i32
        %scatter3A_601 = tpu.memref_slice %arg7[%scan3A_469, %scatter3A_598, %scatter3A_599, %scatter3A_600] : memref<4x2x32x50xf32, #tpu.memory_space<vmem>> -> memref<1x2x32x50xf32, #tpu.memory_space<vmem>>
        %scatter3A_602 = tpu.memref_squeeze %scatter3A_601 : memref<1x2x32x50xf32, #tpu.memory_space<vmem>> -> memref<2x32x50xf32, #tpu.memory_space<vmem>>
        tpu.vector_store_idx %scatter3A_602[%broadcast_in_dim3A_583, %iota3A, %broadcast_in_dim3A], %get3A_590 : memref<2x32x50xf32, #tpu.memory_space<vmem>>[vector<16xi32>, vector<16xi32>, vector<16xi32>], vector<16xf32>,
        %add3A_603 = arith.constant 16 : i32
        %add3A_604 = vector.broadcast %add3A_603 : i32 to vector<16xi32>
        %add3A_605 = arith.addi %iota3A, %add3A_604 : vector<16xi32>
        %scatter3A_606 = arith.constant 0 : i32
        %scatter3A_607 = arith.constant 0 : i32
        %scatter3A_608 = arith.constant 0 : i32
        %scatter3A_609 = tpu.memref_slice %arg7[%scan3A_469, %scatter3A_606, %scatter3A_607, %scatter3A_608] : memref<4x2x32x50xf32, #tpu.memory_space<vmem>> -> memref<1x2x32x50xf32, #tpu.memory_space<vmem>>
        %scatter3A_610 = tpu.memref_squeeze %scatter3A_609 : memref<1x2x32x50xf32, #tpu.memory_space<vmem>> -> memref<2x32x50xf32, #tpu.memory_space<vmem>>
        tpu.vector_store_idx %scatter3A_610[%broadcast_in_dim3A_583, %add3A_605, %broadcast_in_dim3A], %get3A_597 : memref<2x32x50xf32, #tpu.memory_space<vmem>>[vector<16xi32>, vector<16xi32>, vector<16xi32>], vector<16xf32>,
        %scan3A_611 = arith.constant 0 : i32
        %scan3A_612 = arith.constant 1 : i32
        %scan3A_613 = arith.addi %scan3A_549, %scan3A_612 : i32
        %broadcast_in_dim3A_614 = vector.broadcast %scan3A_613 : i32 to vector<16xi32>
        %add3A_615 = arith.constant 0 : i32
        %add3A_616 = arith.addi %add3A_615, %scan3A_613 : i32
        %broadcast_in_dim3A_617 = arith.constant 0 : i32
        %broadcast_in_dim3A_618 = vector.broadcast %broadcast_in_dim3A_617 : i32 to vector<16xi32>
        %get3A_619 = arith.constant 0 : i32
        %get3A_620 = arith.constant 0 : i32
        %get3A_621 = tpu.memref_slice %arg6[%scan3A_468, %get3A_619, %get3A_620] : memref<4x100x32xf32, #tpu.memory_space<vmem>> -> memref<1x100x32xf32, #tpu.memory_space<vmem>>
        %get3A_622 = tpu.memref_squeeze %get3A_621 : memref<1x100x32xf32, #tpu.memory_space<vmem>> -> memref<100x32xf32, #tpu.memory_space<vmem>>
        %get3A_623 = arith.index_cast %add3A_616 : i32 to index
        %get3A_624 = arith.constant 0 : index
        %get3A_625 = tpu.vector_load %get3A_622[%get3A_623, %get3A_624] {strides = array<i32>} : memref<100x32xf32, #tpu.memory_space<vmem>>, vector<16xf32>,
        %get3A_626 = arith.constant 0 : i32
        %get3A_627 = arith.constant 0 : i32
        %get3A_628 = tpu.memref_slice %arg6[%scan3A_468, %get3A_626, %get3A_627] : memref<4x100x32xf32, #tpu.memory_space<vmem>> -> memref<1x100x32xf32, #tpu.memory_space<vmem>>
        %get3A_629 = tpu.memref_squeeze %get3A_628 : memref<1x100x32xf32, #tpu.memory_space<vmem>> -> memref<100x32xf32, #tpu.memory_space<vmem>>
        %get3A_630 = arith.index_cast %add3A_616 : i32 to index
        %get3A_631 = arith.constant 16 : index
        %get3A_632 = tpu.vector_load %get3A_629[%get3A_630, %get3A_631] {strides = array<i32>} : memref<100x32xf32, #tpu.memory_space<vmem>>, vector<16xf32>,
        %scatter3A_633 = arith.constant 0 : i32
        %scatter3A_634 = arith.constant 0 : i32
        %scatter3A_635 = arith.constant 0 : i32
        %scatter3A_636 = tpu.memref_slice %arg7[%scan3A_469, %scatter3A_633, %scatter3A_634, %scatter3A_635] : memref<4x2x32x50xf32, #tpu.memory_space<vmem>> -> memref<1x2x32x50xf32, #tpu.memory_space<vmem>>
        %scatter3A_637 = tpu.memref_squeeze %scatter3A_636 : memref<1x2x32x50xf32, #tpu.memory_space<vmem>> -> memref<2x32x50xf32, #tpu.memory_space<vmem>>
        tpu.vector_store_idx %scatter3A_637[%broadcast_in_dim3A_618, %iota3A, %broadcast_in_dim3A_614], %get3A_625 : memref<2x32x50xf32, #tpu.memory_space<vmem>>[vector<16xi32>, vector<16xi32>, vector<16xi32>], vector<16xf32>,
        %add3A_638 = arith.constant 16 : i32
        %add3A_639 = vector.broadcast %add3A_638 : i32 to vector<16xi32>
        %add3A_640 = arith.addi %iota3A, %add3A_639 : vector<16xi32>
        %scatter3A_641 = arith.constant 0 : i32
        %scatter3A_642 = arith.constant 0 : i32
        %scatter3A_643 = arith.constant 0 : i32
        %scatter3A_644 = tpu.memref_slice %arg7[%scan3A_469, %scatter3A_641, %scatter3A_642, %scatter3A_643] : memref<4x2x32x50xf32, #tpu.memory_space<vmem>> -> memref<1x2x32x50xf32, #tpu.memory_space<vmem>>
        %scatter3A_645 = tpu.memref_squeeze %scatter3A_644 : memref<1x2x32x50xf32, #tpu.memory_space<vmem>> -> memref<2x32x50xf32, #tpu.memory_space<vmem>>
        tpu.vector_store_idx %scatter3A_645[%broadcast_in_dim3A_618, %add3A_640, %broadcast_in_dim3A_614], %get3A_632 : memref<2x32x50xf32, #tpu.memory_space<vmem>>[vector<16xi32>, vector<16xi32>, vector<16xi32>], vector<16xf32>,
        %add3A_646 = arith.constant 50 : i32
        %add3A_647 = arith.addi %add3A_646, %scan3A_613 : i32
        %broadcast_in_dim3A_648 = arith.constant 1 : i32
        %broadcast_in_dim3A_649 = vector.broadcast %broadcast_in_dim3A_648 : i32 to vector<16xi32>
        %get3A_650 = arith.constant 0 : i32
        %get3A_651 = arith.constant 0 : i32
        %get3A_652 = tpu.memref_slice %arg6[%scan3A_468, %get3A_650, %get3A_651] : memref<4x100x32xf32, #tpu.memory_space<vmem>> -> memref<1x100x32xf32, #tpu.memory_space<vmem>>
        %get3A_653 = tpu.memref_squeeze %get3A_652 : memref<1x100x32xf32, #tpu.memory_space<vmem>> -> memref<100x32xf32, #tpu.memory_space<vmem>>
        %get3A_654 = arith.index_cast %add3A_647 : i32 to index
        %get3A_655 = arith.constant 0 : index
        %get3A_656 = tpu.vector_load %get3A_653[%get3A_654, %get3A_655] {strides = array<i32>} : memref<100x32xf32, #tpu.memory_space<vmem>>, vector<16xf32>,
        %get3A_657 = arith.constant 0 : i32
        %get3A_658 = arith.constant 0 : i32
        %get3A_659 = tpu.memref_slice %arg6[%scan3A_468, %get3A_657, %get3A_658] : memref<4x100x32xf32, #tpu.memory_space<vmem>> -> memref<1x100x32xf32, #tpu.memory_space<vmem>>
        %get3A_660 = tpu.memref_squeeze %get3A_659 : memref<1x100x32xf32, #tpu.memory_space<vmem>> -> memref<100x32xf32, #tpu.memory_space<vmem>>
        %get3A_661 = arith.index_cast %add3A_647 : i32 to index
        %get3A_662 = arith.constant 16 : index
        %get3A_663 = tpu.vector_load %get3A_660[%get3A_661, %get3A_662] {strides = array<i32>} : memref<100x32xf32, #tpu.memory_space<vmem>>, vector<16xf32>,
        %scatter3A_664 = arith.constant 0 : i32
        %scatter3A_665 = arith.constant 0 : i32
        %scatter3A_666 = arith.constant 0 : i32
        %scatter3A_667 = tpu.memref_slice %arg7[%scan3A_469, %scatter3A_664, %scatter3A_665, %scatter3A_666] : memref<4x2x32x50xf32, #tpu.memory_space<vmem>> -> memref<1x2x32x50xf32, #tpu.memory_space<vmem>>
        %scatter3A_668 = tpu.memref_squeeze %scatter3A_667 : memref<1x2x32x50xf32, #tpu.memory_space<vmem>> -> memref<2x32x50xf32, #tpu.memory_space<vmem>>
        tpu.vector_store_idx %scatter3A_668[%broadcast_in_dim3A_649, %iota3A, %broadcast_in_dim3A_614], %get3A_656 : memref<2x32x50xf32, #tpu.memory_space<vmem>>[vector<16xi32>, vector<16xi32>, vector<16xi32>], vector<16xf32>,
        %add3A_669 = arith.constant 16 : i32
        %add3A_670 = vector.broadcast %add3A_669 : i32 to vector<16xi32>
        %add3A_671 = arith.addi %iota3A, %add3A_670 : vector<16xi32>
        %scatter3A_672 = arith.constant 0 : i32
        %scatter3A_673 = arith.constant 0 : i32
        %scatter3A_674 = arith.constant 0 : i32
        %scatter3A_675 = tpu.memref_slice %arg7[%scan3A_469, %scatter3A_672, %scatter3A_673, %scatter3A_674] : memref<4x2x32x50xf32, #tpu.memory_space<vmem>> -> memref<1x2x32x50xf32, #tpu.memory_space<vmem>>
        %scatter3A_676 = tpu.memref_squeeze %scatter3A_675 : memref<1x2x32x50xf32, #tpu.memory_space<vmem>> -> memref<2x32x50xf32, #tpu.memory_space<vmem>>
        tpu.vector_store_idx %scatter3A_676[%broadcast_in_dim3A_649, %add3A_671, %broadcast_in_dim3A_614], %get3A_663 : memref<2x32x50xf32, #tpu.memory_space<vmem>>[vector<16xi32>, vector<16xi32>, vector<16xi32>], vector<16xf32>,
        %scan3A_677 = arith.constant 0 : i32
        scf.yield %scan3A_677 : i32
      }
      %scan3A_476 = arith.constant 50 : i32
      %add3A_477 = arith.constant 4 : i32
      %add3A_478 = arith.addi %add3A_450, %add3A_477 : i32
      %lt3A_479 = arith.constant 416 : i32
      %lt3A_480 = arith.cmpi slt, %add3A_478, %lt3A_479 : i32
      %convert_element_type3A_481 = arith.extui %lt3A_480 : i1 to i32
      %cond3A_482 = arith.constant 0 : i32
      %cond3A_483 = arith.cmpi ne, %convert_element_type3A_481, %cond3A_482 : i32
      scf.if %cond3A_483 {
        %add3A_549 = arith.constant 4 : i32
        %add3A_550 = arith.addi %add3A_450, %add3A_549 : i32
        %dma_start3A_551 = arith.constant 3 : i32
        %dma_start3A_552 = arith.constant 0 : i32
        %dma_start3A_553 = arith.constant 0 : i32
        %dma_start3A_554 = tpu.memref_slice %arg6[%dma_start3A_551, %dma_start3A_552, %dma_start3A_553] : memref<4x100x32xf32, #tpu.memory_space<vmem>> -> memref<1x100x32xf32, #tpu.memory_space<vmem>>
        %dma_start3A_555 = tpu.memref_squeeze %dma_start3A_554 : memref<1x100x32xf32, #tpu.memory_space<vmem>> -> memref<100x32xf32, #tpu.memory_space<vmem>>
        %dma_start3A_556 = arith.constant 0 : i32
        %dma_start3A_557 = tpu.memref_slice %arg5[%add3A_550, %dma_start3A_556] : memref<416x100xi32, #tpu.memory_space<vmem>> -> memref<1x100xi32, #tpu.memory_space<vmem>>
        %dma_start3A_558 = tpu.memref_squeeze %dma_start3A_557 : memref<1x100xi32, #tpu.memory_space<vmem>> -> memref<100xi32, #tpu.memory_space<vmem>>
        %dma_start3A_559 = arith.constant 0 : i32
        %dma_start3A_560 = arith.constant 0 : i32
        %dma_start3A_561 = tpu.memref_slice %arg3[%dma_start3A_559, %dma_start3A_560] : memref<1000000x32xf32, #tpu.memory_space<hbm>> -> memref<1000000x32xf32, #tpu.memory_space<hbm>>
        tpu.enqueue_indirect_dma source(%dma_start3A_561 : memref<1000000x32xf32, #tpu.memory_space<hbm>>) target(%dma_start3A_555 : memref<100x32xf32, #tpu.memory_space<vmem>>) offsets(%dma_start3A_558 : memref<100xi32, #tpu.memory_space<vmem>>) semaphore(%arg11 : memref<!tpu.dma_semaphore, #tpu.memory_space<semaphore_mem>>)
      } else {
      }
      %mul3A_484 = arith.constant 32 : i32
      %mul3A_485 = arith.muli %add3A, %mul3A_484 : i32
      %jit3A_486 = arith.constant 13 : i32
      %div3A_487 = arith.divsi %add3A_450, %jit3A_486 : i32
      %sign3A_488 = arith.constant 0 : i32
      %sign3A_489 = arith.cmpi sgt, %add3A_450, %sign3A_488 : i32
      %sign3A_490 = arith.extui %sign3A_489 : i1 to i32
      %sign3A_491 = arith.constant 0 : i32
      %sign3A_492 = arith.cmpi slt, %add3A_450, %sign3A_491 : i32
      %sign3A_493 = arith.extui %sign3A_492 : i1 to i32
      %sign3A_494 = arith.subi %sign3A_490, %sign3A_493 : i32
      %sign3A_495 = arith.constant 0 : i32
      %sign3A_496 = arith.cmpi sgt, %jit3A_486, %sign3A_495 : i32
      %sign3A_497 = arith.extui %sign3A_496 : i1 to i32
      %sign3A_498 = arith.constant 0 : i32
      %sign3A_499 = arith.cmpi slt, %jit3A_486, %sign3A_498 : i32
      %sign3A_500 = arith.extui %sign3A_499 : i1 to i32
      %sign3A_501 = arith.subi %sign3A_497, %sign3A_500 : i32
      %ne3A_502 = arith.cmpi ne, %sign3A_494, %sign3A_501 : i32
      %rem3A_503 = arith.remsi %add3A_450, %jit3A_486 : i32
      %ne3A_504 = arith.constant 0 : i32
      %ne3A_505 = arith.cmpi ne, %rem3A_503, %ne3A_504 : i32
      %and3A_506 = arith.andi %ne3A_502, %ne3A_505 : i1
      %sub3A_507 = arith.constant 1 : i32
      %sub3A_508 = arith.subi %div3A_487, %sub3A_507 : i32
      %select_n3A_509 = arith.select %and3A_506, %sub3A_508, %div3A_487 : i32
      %add3A_510 = arith.addi %mul3A_485, %select_n3A_509 : i32
      %jit3A_511 = arith.constant 13 : i32
      %eq3A_512 = arith.constant 0 : i32
      %eq3A_513 = arith.cmpi eq, %jit3A_511, %eq3A_512 : i32
      %jit3A_514 = arith.constant 1 : i32
      %select_n3A_515 = arith.select %eq3A_513, %jit3A_514, %jit3A_511 : i32
      %rem3A_516 = arith.remsi %add3A_450, %select_n3A_515 : i32
      %ne3A_517 = arith.constant 0 : i32
      %ne3A_518 = arith.cmpi ne, %rem3A_516, %ne3A_517 : i32
      %lt3A_519 = arith.constant 0 : i32
      %lt3A_520 = arith.cmpi slt, %rem3A_516, %lt3A_519 : i32
      %lt3A_521 = arith.constant 0 : i32
      %lt3A_522 = arith.cmpi slt, %select_n3A_515, %lt3A_521 : i32
      %ne3A_523 = arith.xori %lt3A_520, %lt3A_522 : i1
      %and3A_524 = arith.andi %ne3A_523, %ne3A_518 : i1
      %add3A_525 = arith.addi %rem3A_516, %select_n3A_515 : i32
      %select_n3A_526 = arith.select %and3A_524, %add3A_525, %rem3A_516 : i32
      %mul3A_527 = arith.constant 2 : i32
      %mul3A_528 = arith.muli %select_n3A_526, %mul3A_527 : i32
      %dma_start3A_529 = arith.constant 3 : i32
      %dma_start3A_530 = arith.constant 0 : i32
      %dma_start3A_531 = arith.constant 0 : i32
      %dma_start3A_532 = arith.constant 0 : i32
      %dma_start3A_533 = tpu.memref_slice %arg7[%dma_start3A_529, %dma_start3A_530, %dma_start3A_531, %dma_start3A_532] : memref<4x2x32x50xf32, #tpu.memory_space<vmem>> -> memref<1x2x32x50xf32, #tpu.memory_space<vmem>>
      %dma_start3A_534 = tpu.memref_squeeze %dma_start3A_533 : memref<1x2x32x50xf32, #tpu.memory_space<vmem>> -> memref<2x32x50xf32, #tpu.memory_space<vmem>>
      %dma_start3A_535 = arith.constant 0 : i32
      %dma_start3A_536 = arith.constant 0 : i32
      %dma_start3A_537 = tpu.memref_slice %arg4[%add3A_510, %mul3A_528, %dma_start3A_535, %dma_start3A_536] : memref<1024x26x32x50xf32, #tpu.memory_space<hbm>> -> memref<1x2x32x50xf32, #tpu.memory_space<hbm>>
      %dma_start3A_538 = tpu.memref_squeeze %dma_start3A_537 : memref<1x2x32x50xf32, #tpu.memory_space<hbm>> -> memref<2x32x50xf32, #tpu.memory_space<hbm>>
      %dma_start3A_539 = arith.constant 0 : i32
      %dma_start3A_540 = arith.constant 0 : i32
      %dma_start3A_541 = tpu.memref_slice %arg4[%add3A_510, %mul3A_528, %dma_start3A_539, %dma_start3A_540] : memref<1024x26x32x50xf32, #tpu.memory_space<hbm>> -> memref<1x2x32x50xf32, #tpu.memory_space<hbm>>
      %dma_start3A_542 = tpu.memref_squeeze %dma_start3A_541 : memref<1x2x32x50xf32, #tpu.memory_space<hbm>> -> memref<2x32x50xf32, #tpu.memory_space<hbm>>
      %dma_start3A_543 = arith.constant 0 : i32
      %dma_start3A_544 = arith.constant 0 : i32
      %dma_start3A_545 = arith.constant 0 : i32
      %dma_start3A_546 = tpu.memref_slice %arg7[%dma_start3A_529, %dma_start3A_543, %dma_start3A_544, %dma_start3A_545] : memref<4x2x32x50xf32, #tpu.memory_space<vmem>> -> memref<1x2x32x50xf32, #tpu.memory_space<vmem>>
      %dma_start3A_547 = tpu.memref_squeeze %dma_start3A_546 : memref<1x2x32x50xf32, #tpu.memory_space<vmem>> -> memref<2x32x50xf32, #tpu.memory_space<vmem>>
      tpu.enqueue_dma source(%dma_start3A_547 : memref<2x32x50xf32, #tpu.memory_space<vmem>>) target(%dma_start3A_542 : memref<2x32x50xf32, #tpu.memory_space<hbm>>) target_semaphore(%arg15 : memref<!tpu.dma_semaphore, #tpu.memory_space<semaphore_mem>>)
      %scan3A_548 = arith.constant 0 : i32
      scf.yield %scan3A_548 : i32
    }
    %scan3A_55 = arith.constant 104 : i32
    %mul3A_56 = arith.constant 32 : i32
    %mul3A_57 = arith.muli %add3A, %mul3A_56 : i32
    %add3A_58 = arith.constant 31 : i32
    %add3A_59 = arith.addi %mul3A_57, %add3A_58 : i32
    %dma_wait3A = arith.constant 0 : i32
    %dma_wait3A_60 = arith.constant 0 : i32
    %dma_wait3A_61 = arith.constant 0 : i32
    %dma_wait3A_62 = arith.constant 0 : i32
    %dma_wait3A_63 = tpu.memref_slice %arg7[%dma_wait3A, %dma_wait3A_60, %dma_wait3A_61, %dma_wait3A_62] : memref<4x2x32x50xf32, #tpu.memory_space<vmem>> -> memref<1x2x32x50xf32, #tpu.memory_space<vmem>>
    %dma_wait3A_64 = tpu.memref_squeeze %dma_wait3A_63 : memref<1x2x32x50xf32, #tpu.memory_space<vmem>> -> memref<2x32x50xf32, #tpu.memory_space<vmem>>
    %dma_wait3A_65 = arith.constant 18 : i32
    %dma_wait3A_66 = arith.constant 0 : i32
    %dma_wait3A_67 = arith.constant 0 : i32
    %dma_wait3A_68 = tpu.memref_slice %arg4[%add3A_59, %dma_wait3A_65, %dma_wait3A_66, %dma_wait3A_67] : memref<1024x26x32x50xf32, #tpu.memory_space<hbm>> -> memref<1x2x32x50xf32, #tpu.memory_space<hbm>>
    %dma_wait3A_69 = tpu.memref_squeeze %dma_wait3A_68 : memref<1x2x32x50xf32, #tpu.memory_space<hbm>> -> memref<2x32x50xf32, #tpu.memory_space<hbm>>
    %dma_wait3A_70 = arith.constant 18 : i32
    %dma_wait3A_71 = arith.constant 0 : i32
    %dma_wait3A_72 = arith.constant 0 : i32
    %dma_wait3A_73 = tpu.memref_slice %arg4[%add3A_59, %dma_wait3A_70, %dma_wait3A_71, %dma_wait3A_72] : memref<1024x26x32x50xf32, #tpu.memory_space<hbm>> -> memref<1x2x32x50xf32, #tpu.memory_space<hbm>>
    %dma_wait3A_74 = tpu.memref_squeeze %dma_wait3A_73 : memref<1x2x32x50xf32, #tpu.memory_space<hbm>> -> memref<2x32x50xf32, #tpu.memory_space<hbm>>
    %dma_wait3A_75 = arith.constant 0 : i32
    %dma_wait3A_76 = arith.constant 0 : i32
    %dma_wait3A_77 = arith.constant 0 : i32
    %dma_wait3A_78 = tpu.memref_slice %arg7[%dma_wait3A, %dma_wait3A_75, %dma_wait3A_76, %dma_wait3A_77] : memref<4x2x32x50xf32, #tpu.memory_space<vmem>> -> memref<1x2x32x50xf32, #tpu.memory_space<vmem>>
    %dma_wait3A_79 = tpu.memref_squeeze %dma_wait3A_78 : memref<1x2x32x50xf32, #tpu.memory_space<vmem>> -> memref<2x32x50xf32, #tpu.memory_space<vmem>>
    tpu.wait_dma2 semaphore(%arg12 : memref<!tpu.dma_semaphore, #tpu.memory_space<semaphore_mem>>) src(%dma_wait3A_79 : memref<2x32x50xf32, #tpu.memory_space<vmem>>) dst(%dma_wait3A_74 : memref<2x32x50xf32, #tpu.memory_space<hbm>>)
    %mul3A_80 = arith.constant 32 : i32
    %mul3A_81 = arith.muli %add3A, %mul3A_80 : i32
    %add3A_82 = arith.constant 31 : i32
    %add3A_83 = arith.addi %mul3A_81, %add3A_82 : i32
    %dma_wait3A_84 = arith.constant 1 : i32
    %dma_wait3A_85 = arith.constant 0 : i32
    %dma_wait3A_86 = arith.constant 0 : i32
    %dma_wait3A_87 = arith.constant 0 : i32
    %dma_wait3A_88 = tpu.memref_slice %arg7[%dma_wait3A_84, %dma_wait3A_85, %dma_wait3A_86, %dma_wait3A_87] : memref<4x2x32x50xf32, #tpu.memory_space<vmem>> -> memref<1x2x32x50xf32, #tpu.memory_space<vmem>>
    %dma_wait3A_89 = tpu.memref_squeeze %dma_wait3A_88 : memref<1x2x32x50xf32, #tpu.memory_space<vmem>> -> memref<2x32x50xf32, #tpu.memory_space<vmem>>
    %dma_wait3A_90 = arith.constant 20 : i32
    %dma_wait3A_91 = arith.constant 0 : i32
    %dma_wait3A_92 = arith.constant 0 : i32
    %dma_wait3A_93 = tpu.memref_slice %arg4[%add3A_83, %dma_wait3A_90, %dma_wait3A_91, %dma_wait3A_92] : memref<1024x26x32x50xf32, #tpu.memory_space<hbm>> -> memref<1x2x32x50xf32, #tpu.memory_space<hbm>>
    %dma_wait3A_94 = tpu.memref_squeeze %dma_wait3A_93 : memref<1x2x32x50xf32, #tpu.memory_space<hbm>> -> memref<2x32x50xf32, #tpu.memory_space<hbm>>
    %dma_wait3A_95 = arith.constant 20 : i32
    %dma_wait3A_96 = arith.constant 0 : i32
    %dma_wait3A_97 = arith.constant 0 : i32
    %dma_wait3A_98 = tpu.memref_slice %arg4[%add3A_83, %dma_wait3A_95, %dma_wait3A_96, %dma_wait3A_97] : memref<1024x26x32x50xf32, #tpu.memory_space<hbm>> -> memref<1x2x32x50xf32, #tpu.memory_space<hbm>>
    %dma_wait3A_99 = tpu.memref_squeeze %dma_wait3A_98 : memref<1x2x32x50xf32, #tpu.memory_space<hbm>> -> memref<2x32x50xf32, #tpu.memory_space<hbm>>
    %dma_wait3A_100 = arith.constant 0 : i32
    %dma_wait3A_101 = arith.constant 0 : i32
    %dma_wait3A_102 = arith.constant 0 : i32
    %dma_wait3A_103 = tpu.memref_slice %arg7[%dma_wait3A_84, %dma_wait3A_100, %dma_wait3A_101, %dma_wait3A_102] : memref<4x2x32x50xf32, #tpu.memory_space<vmem>> -> memref<1x2x32x50xf32, #tpu.memory_space<vmem>>
    %dma_wait3A_104 = tpu.memref_squeeze %dma_wait3A_103 : memref<1x2x32x50xf32, #tpu.memory_space<vmem>> -> memref<2x32x50xf32, #tpu.memory_space<vmem>>
    tpu.wait_dma2 semaphore(%arg13 : memref<!tpu.dma_semaphore, #tpu.memory_space<semaphore_mem>>) src(%dma_wait3A_104 : memref<2x32x50xf32, #tpu.memory_space<vmem>>) dst(%dma_wait3A_99 : memref<2x32x50xf32, #tpu.memory_space<hbm>>)
    %mul3A_105 = arith.constant 32 : i32
    %mul3A_106 = arith.muli %add3A, %mul3A_105 : i32
    %add3A_107 = arith.constant 31 : i32
    %add3A_108 = arith.addi %mul3A_106, %add3A_107 : i32
    %dma_wait3A_109 = arith.constant 2 : i32
    %dma_wait3A_110 = arith.constant 0 : i32
    %dma_wait3A_111 = arith.constant 0 : i32
    %dma_wait3A_112 = arith.constant 0 : i32
    %dma_wait3A_113 = tpu.memref_slice %arg7[%dma_wait3A_109, %dma_wait3A_110, %dma_wait3A_111, %dma_wait3A_112] : memref<4x2x32x50xf32, #tpu.memory_space<vmem>> -> memref<1x2x32x50xf32, #tpu.memory_space<vmem>>
    %dma_wait3A_114 = tpu.memref_squeeze %dma_wait3A_113 : memref<1x2x32x50xf32, #tpu.memory_space<vmem>> -> memref<2x32x50xf32, #tpu.memory_space<vmem>>
    %dma_wait3A_115 = arith.constant 22 : i32
    %dma_wait3A_116 = arith.constant 0 : i32
    %dma_wait3A_117 = arith.constant 0 : i32
    %dma_wait3A_118 = tpu.memref_slice %arg4[%add3A_108, %dma_wait3A_115, %dma_wait3A_116, %dma_wait3A_117] : memref<1024x26x32x50xf32, #tpu.memory_space<hbm>> -> memref<1x2x32x50xf32, #tpu.memory_space<hbm>>
    %dma_wait3A_119 = tpu.memref_squeeze %dma_wait3A_118 : memref<1x2x32x50xf32, #tpu.memory_space<hbm>> -> memref<2x32x50xf32, #tpu.memory_space<hbm>>
    %dma_wait3A_120 = arith.constant 22 : i32
    %dma_wait3A_121 = arith.constant 0 : i32
    %dma_wait3A_122 = arith.constant 0 : i32
    %dma_wait3A_123 = tpu.memref_slice %arg4[%add3A_108, %dma_wait3A_120, %dma_wait3A_121, %dma_wait3A_122] : memref<1024x26x32x50xf32, #tpu.memory_space<hbm>> -> memref<1x2x32x50xf32, #tpu.memory_space<hbm>>
    %dma_wait3A_124 = tpu.memref_squeeze %dma_wait3A_123 : memref<1x2x32x50xf32, #tpu.memory_space<hbm>> -> memref<2x32x50xf32, #tpu.memory_space<hbm>>
    %dma_wait3A_125 = arith.constant 0 : i32
    %dma_wait3A_126 = arith.constant 0 : i32
    %dma_wait3A_127 = arith.constant 0 : i32
    %dma_wait3A_128 = tpu.memref_slice %arg7[%dma_wait3A_109, %dma_wait3A_125, %dma_wait3A_126, %dma_wait3A_127] : memref<4x2x32x50xf32, #tpu.memory_space<vmem>> -> memref<1x2x32x50xf32, #tpu.memory_space<vmem>>
    %dma_wait3A_129 = tpu.memref_squeeze %dma_wait3A_128 : memref<1x2x32x50xf32, #tpu.memory_space<vmem>> -> memref<2x32x50xf32, #tpu.memory_space<vmem>>
    tpu.wait_dma2 semaphore(%arg14 : memref<!tpu.dma_semaphore, #tpu.memory_space<semaphore_mem>>) src(%dma_wait3A_129 : memref<2x32x50xf32, #tpu.memory_space<vmem>>) dst(%dma_wait3A_124 : memref<2x32x50xf32, #tpu.memory_space<hbm>>)
    %mul3A_130 = arith.constant 32 : i32
    %mul3A_131 = arith.muli %add3A, %mul3A_130 : i32
    %add3A_132 = arith.constant 31 : i32
    %add3A_133 = arith.addi %mul3A_131, %add3A_132 : i32
    %dma_wait3A_134 = arith.constant 3 : i32
    %dma_wait3A_135 = arith.constant 0 : i32
    %dma_wait3A_136 = arith.constant 0 : i32
    %dma_wait3A_137 = arith.constant 0 : i32
    %dma_wait3A_138 = tpu.memref_slice %arg7[%dma_wait3A_134, %dma_wait3A_135, %dma_wait3A_136, %dma_wait3A_137] : memref<4x2x32x50xf32, #tpu.memory_space<vmem>> -> memref<1x2x32x50xf32, #tpu.memory_space<vmem>>
    %dma_wait3A_139 = tpu.memref_squeeze %dma_wait3A_138 : memref<1x2x32x50xf32, #tpu.memory_space<vmem>> -> memref<2x32x50xf32, #tpu.memory_space<vmem>>
    %dma_wait3A_140 = arith.constant 24 : i32
    %dma_wait3A_141 = arith.constant 0 : i32
    %dma_wait3A_142 = arith.constant 0 : i32
    %dma_wait3A_143 = tpu.memref_slice %arg4[%add3A_133, %dma_wait3A_140, %dma_wait3A_141, %dma_wait3A_142] : memref<1024x26x32x50xf32, #tpu.memory_space<hbm>> -> memref<1x2x32x50xf32, #tpu.memory_space<hbm>>
    %dma_wait3A_144 = tpu.memref_squeeze %dma_wait3A_143 : memref<1x2x32x50xf32, #tpu.memory_space<hbm>> -> memref<2x32x50xf32, #tpu.memory_space<hbm>>
    %dma_wait3A_145 = arith.constant 24 : i32
    %dma_wait3A_146 = arith.constant 0 : i32
    %dma_wait3A_147 = arith.constant 0 : i32
    %dma_wait3A_148 = tpu.memref_slice %arg4[%add3A_133, %dma_wait3A_145, %dma_wait3A_146, %dma_wait3A_147] : memref<1024x26x32x50xf32, #tpu.memory_space<hbm>> -> memref<1x2x32x50xf32, #tpu.memory_space<hbm>>
    %dma_wait3A_149 = tpu.memref_squeeze %dma_wait3A_148 : memref<1x2x32x50xf32, #tpu.memory_space<hbm>> -> memref<2x32x50xf32, #tpu.memory_space<hbm>>
    %dma_wait3A_150 = arith.constant 0 : i32
    %dma_wait3A_151 = arith.constant 0 : i32
    %dma_wait3A_152 = arith.constant 0 : i32
    %dma_wait3A_153 = tpu.memref_slice %arg7[%dma_wait3A_134, %dma_wait3A_150, %dma_wait3A_151, %dma_wait3A_152] : memref<4x2x32x50xf32, #tpu.memory_space<vmem>> -> memref<1x2x32x50xf32, #tpu.memory_space<vmem>>
    %dma_wait3A_154 = tpu.memref_squeeze %dma_wait3A_153 : memref<1x2x32x50xf32, #tpu.memory_space<vmem>> -> memref<2x32x50xf32, #tpu.memory_space<vmem>>
    tpu.wait_dma2 semaphore(%arg15 : memref<!tpu.dma_semaphore, #tpu.memory_space<semaphore_mem>>) src(%dma_wait3A_154 : memref<2x32x50xf32, #tpu.memory_space<vmem>>) dst(%dma_wait3A_149 : memref<2x32x50xf32, #tpu.memory_space<hbm>>)
    return
  }
}

</mosaic_0001>

<sc_bundles>
// kernel: kernel.3.cloned.1.call-start
scs
__scs_entry_jumppad:
0x0: {  	(pc) =	sbr.rel $0x88, $3  }
0x1: {  	(tag) =	ssettag $0x0;
	lr =	simm.s32 $0x1  }
0x2: {  	[smem:$0x3F9F] =	sst lr;
	_ =	strace $0xD0000000  }
0x3: {  	_ = 	snop  }
0x4: {  	_ = 	snop  }
0x5: {  	_ = 	snop  }
0x6: {  	_ = 	snop  }
0x7: {  	_ = 	snop  }
__scs_overlays_trampoline_lowered:
0x8: {  	[smem:$0x3FAE] =	sst s0  }
0x9: {  	[smem:$0x3FAF] =	sst s1  }
0xa: {  	[smem:$0x3FB0] =	sst s2  }
0xb: {  	[smem:$0x3FB1] =	sst s3  }
0xc: {  	[smem:$0x3FB2] =	sst s4  }
0xd: {  	[smem:$0x3FB3] =	sst s5  }
0xe: {  	[smem:$0x3FB4] =	sst s6  }
0xf: {  	[smem:$0x3FB5] =	sst s7  }
0x10: {  	[smem:$0x3FB6] =	sst s8  }
0x11: {  	[smem:$0x3FB7] =	sst s9;
	s0 =	simm.s32 @!p0 $0x0  }
0x12: {  	s1 =	sld [smem:$0x3F9D];
	s0 =	simm.s32 @p0 $0x1  }
0x13: {  	[smem:$0x3FB8] =	sst s0;
	s0 =	simm.s32 @!p1 $0x0  }
0x14: {  	s2 =	sld [smem:$0x3F9C];
	s0 =	simm.s32 @p1 $0x1  }
0x15: {  	[smem:$0x3FB9] =	sst s0;
	s0 =	simm.s32 @!p2 $0x0  }
0x16: {  	s3 =	sld [smem:$0x3FDB];
	s0 =	simm.s32 @p2 $0x1  }
0x17: {  	s4 =	simm.s32 $0x1BF5;
	[smem:$0x3FBB] =	sst s0  }
0x18: {  	s0 =	sld [smem:$0x3F9E];
	_ =	swait.ge [sflag:s4], $0x0  }
0x19: {  	s7 =	sld [smem:$0x3F9F]  }
0x1a: {  	s8 =	sadd.s32 $0xFFFFE003, lr  }
0x1b: {  	s9 =	sadd.s32 $0xFFFFFEF7, lr;
	s5 =	simm.s32 $0xFFFFFFFF;
	p2 =	slt.u32 s8, $0xFFFFF086  }
0x1c: {  	p1 =	slt.u32 s9, $0xF7A;
	s5 =	simm.s32 @!p2 $0x0  }
0x1d: {  	s5 =	simm.s32 @p1 $0x1;
	p0 =	seq.s32 s7, s2  }
0x1e: {  	s7 =	smul.u32 @!p0 $0xF7A, s2;
	p2 =	seq.s32 @!p0 s5, $0x0  }
0x1f: {  	s9 =	smul.u32 $0xF7A, s1;
	s8 =	simm.s32 @!p0 $0x1BF5;
	p2 =	por !p2, p0  }
0x20: {  	[sflag:s8] =	ssyncset.s32 @!p0 $0xFFFFF086;
	s6 =	sadd.s32 @!p0 s3, s7;
	s7 =	simm.s32 @!p0 $0x108  }
0x21: {  	s3 =	sadd.s32 s3, s9;
	s6 =	sadd.s32 @!p0 $0x88, s6;
	s7 =	simm.s32 @p2 $0x1082  }
0x22: {  	[simem:s7], [sflag:s8] =	dma.local @!p0 [hbm:s6], $0xF7A  }
0x23: {  	s9 =	sor.u32 $0xD0000000, s2;
	s6 =	simm.s32 $0x108;
	_ =	swait.ge @!p0 [sflag:s8], $0x0  }
0x24: {  	s3 =	sadd.s32 $0x88, s3;
	s6 =	simm.s32 @!p1 $0x1082;
	[sflag:s4] =	ssyncset.s32 $0xFFFFF086  }
0x25: {  	[simem:s6], [sflag:s4] =	dma.local [hbm:s3], $0xF7A  }
0x26: {  	[smem:$0x3F9F] =	sst s1;
	(tag) =	ssettag s2;
	_ =	strace s9  }
0x27: {  	s1 =	sld [smem:$0x3FAF]  }
0x28: {  	s2 =	sld [smem:$0x3FB0]  }
0x29: {  	s4 =	sld [smem:$0x3FB2]  }
0x2a: {  	p0 =	seq.s32 s5, $0x0;
	s5 =	sld [smem:$0x3FB3]  }
0x2b: {  	s6 =	sld [smem:$0x3FB4]  }
0x2c: {  	s7 =	sld [smem:$0x3FB5]  }
0x2d: {  	s3 =	simm.s32 $0x108;
	s8 =	sld [smem:$0x3FB6]  }
0x2e: {  	s3 =	simm.s32 @!p0 $0x1082;
	s9 =	sld [smem:$0x3FB7]  }
0x2f: {  	lr =	sadd.s32 s0, s3;
	s0 =	sld [smem:$0x3FAE]  }
0x30: {  	s3 =	sld [smem:$0x3FB1]  }
0x31: {  	[smem:$0x3FBA] =	sst s10  }
0x32: {  	s10 =	sld [smem:$0x3FB8];
	_ =	sdelay $0x3  }
0x33: {  	p0 =	seq.s32 s10, $0x1;
	s10 =	sld [smem:$0x3FBA];
	_ =	sdelay $0x3  }
0x34: {  	[smem:$0x3FBA] =	sst s10  }
0x35: {  	s10 =	sld [smem:$0x3FB9];
	_ =	sdelay $0x3  }
0x36: {  	p1 =	seq.s32 s10, $0x1;
	s10 =	sld [smem:$0x3FBA];
	_ =	sdelay $0x3  }
0x37: {  	[smem:$0x3FBA] =	sst s10  }
0x38: {  	s10 =	sld [smem:$0x3FBB]  }
0x39: {  	_ = 	snop;
	(pc) =	sbr.ind lr, $3  }
0x3a: {  	_ = 	snop  }
0x3b: {  	_ = 	snop  }
0x3c: {  	p2 =	seq.s32 s10, $0x1;
	s10 =	sld [smem:$0x3FBA]  }
0x3d: {  	_ =	shalt  }
0x3e: {  	_ =	shalt  }
0x3f: {  	_ =	shalt  }
0x40: {  	_ =	shalt  }
0x41: {  	_ =	shalt  }
0x42: {  	_ =	shalt  }
0x43: {  	_ =	shalt  }
0x44: {  	_ =	shalt  }
0x45: {  	_ =	shalt  }
0x46: {  	_ =	shalt  }
0x47: {  	_ =	shalt  }
0x48: {  	_ =	shalt  }
0x49: {  	_ =	shalt  }
0x4a: {  	_ =	shalt  }
0x4b: {  	_ =	shalt  }
0x4c: {  	_ =	shalt  }
0x4d: {  	_ =	shalt  }
0x4e: {  	_ =	shalt  }
0x4f: {  	_ =	shalt  }
0x50: {  	_ =	shalt  }
0x51: {  	_ =	shalt  }
0x52: {  	_ =	shalt  }
0x53: {  	_ =	shalt  }
0x54: {  	_ =	shalt  }
0x55: {  	_ =	shalt  }
0x56: {  	_ =	shalt  }
0x57: {  	_ =	shalt  }
0x58: {  	_ =	shalt  }
0x59: {  	_ =	shalt  }
0x5a: {  	_ =	shalt  }
0x5b: {  	_ =	shalt  }
0x5c: {  	_ =	shalt  }
0x5d: {  	_ =	shalt  }
0x5e: {  	_ =	shalt  }
0x5f: {  	_ =	shalt  }
0x60: {  	_ =	shalt  }
0x61: {  	_ =	shalt  }
0x62: {  	_ =	shalt  }
0x63: {  	_ =	shalt  }
0x64: {  	_ =	shalt  }
0x65: {  	_ =	shalt  }
0x66: {  	_ =	shalt  }
0x67: {  	_ =	shalt  }
0x68: {  	_ =	shalt  }
0x69: {  	_ =	shalt  }
0x6a: {  	_ =	shalt  }
0x6b: {  	_ =	shalt  }
0x6c: {  	_ =	shalt  }
0x6d: {  	_ =	shalt  }
0x6e: {  	_ =	shalt  }
0x6f: {  	_ =	shalt  }
0x70: {  	_ =	shalt  }
0x71: {  	_ =	shalt  }
0x72: {  	_ =	shalt  }
0x73: {  	_ =	shalt  }
0x74: {  	_ =	shalt  }
0x75: {  	_ =	shalt  }
0x76: {  	_ =	shalt  }
0x77: {  	_ =	shalt  }
0x78: {  	_ =	shalt  }
0x79: {  	_ =	shalt  }
0x7a: {  	_ =	shalt  }
0x7b: {  	_ =	shalt  }
0x7c: {  	_ =	shalt  }
0x7d: {  	_ =	shalt  }
0x7e: {  	_ =	shalt  }
0x7f: {  	_ =	shalt  }
0x80: {  	_ =	shalt  }
0x81: {  	_ =	shalt  }
0x82: {  	_ =	shalt  }
0x83: {  	_ =	shalt  }
0x84: {  	_ =	shalt  }
0x85: {  	_ =	shalt  }
0x86: {  	_ =	shalt  }
0x87: {  	_ =	shalt  }
.Lfunc_end0:
.L_simem_size_0:
called_computation.1_lowered:
.L_overlay_start_0:
0x88: {  	s2 =	sld [smem:$0x3FD9]  }
0x89: {  	s3 =	sld [smem:$0x3FFE];
	_ =	sdelay $0x1  }
0x8a: {  	s1 =	srdreg.scid  }
0x8b: {  	s0 =	sand.u32 $0x1, s1  }
0x8c: {  	s17 =	sshll.u32 s0, $0xA;
	s2 =	sadd.s32 s3, s2  }
0x8d: {  	s2 =	sadd.s32 s2, s17  }
0x8e: {  	[smem:$0x3FC6] =	sst s2  }
0x8f: {  	_ = 	snop  }
0x90: {  	s2 =	sld [smem:$0x3FD0];
	(tm) =	ssettm $0x1  }
0x91: {  	s18 =	sld [smem:$0x3FFB];
	_ =	sdelay $0x3  }
0x92: {  	_ =	strace s18  }
0x93: {  	s3 =	sld [smem:$0x3FFC];
	_ =	sdelay $0x3  }
0x94: {  	_ =	strace s3  }
0x95: {  	s3 =	sld [smem:$0x3FFD];
	_ =	sdelay $0x3  }
0x96: {  	_ =	strace s3  }
0x97: {  	_ =	strace $0x8FFFFFFF  }
0x98: {  	s19 =	sld [smem:$0x3FDB];
	_ =	sdelay $0x1  }
0x99: {  	s4 =	simm.s32 $_scs_section_size  }
0x9a: {  	s5 =	simm.s32 $_size__tile_overlayer_lowered;
	s6 =	simm.s32 $_tile_overlayer_lowered  }
0x9b: {  	s22 =	simm.s32 $0x1BFF;
	s21 =	sshll.u32 s6, $0x1;
	s3 =	sadd.s32 s4, s19  }
0x9c: {  	s7 =	simm.s32 $0x0;
	s20 =	sshll.u32 s5, $0x1;
	s5 =	sadd.s32 s21, s3  }
0x9d: {  	[timem:s7], [sflag:s22] =	dma.local [hbm:s5], s20  }
0x9e: {  	_ =	swait.ge [sflag:s22], s20  }
0x9f: {  	s4 =	ssub.s32 $0x0, s20;
	[sflag:s22] =	ssyncset.done $0x0  }
0xa0: {  	[sflag:s22] =	ssyncadd.s32 s4;
	_ =	sdelay $0x1  }
0xa1: {  	s23 =	simm.s32 $0x1B8B  }
0xa2: {  	_ =	swait.ge [sflag:s23], $0x1  }
0xa3: {  	[sflag:s23] =	ssyncset.done $0x0  }
0xa4: {  	s25 =	simm.s32 $0x1B8E;
	s24 =	sld [smem:$0x3FFE];
	[sflag:s23] =	ssyncadd.s32 $0xFFFFFFFF  }
0xa5: {  	s26 =	simm.s32 $execute0_lowered;
	[smem:$0x3FD2] =	sst s25  }
0xa6: {  	s5 =	sshll.u32 s26, $0x1;
	_ =	strace $0x80000046;
	[dreg:$0x1] =	wrdreg $0xFFFFFFFF  }
0xa7: {  	s28 =	simm.s32 $_size_execute0_lowered;
	s3 =	sadd.s32 s3, s5;
	[dreg:$0x0] =	wrdreg $0x0  }
0xa8: {  	s5 =	sshll.u32 s28, $0x1;
	[dreg:$0x2] =	wrdreg s3  }
0xa9: {  	[dreg:$0x3] =	wrdreg s5  }
0xaa: {  	[dreg:$0x4] =	wrdreg $0xC0  }
0xab: {  	_ =	task [dreg:s7], $0x5FFFF  }
0xac: {  	[dreg:$0x1] =	wrdreg $0xFFFFFFFF  }
0xad: {  	[dreg:$0x0] =	wrdreg $0x60  }
0xae: {  	[dreg:$0x2] =	wrdreg s24  }
0xaf: {  	[dreg:$0x3] =	wrdreg s2  }
0xb0: {  	[dreg:$0x4] =	wrdreg $0x9  }
0xb1: {  	_ =	task.clear_ibuf [dreg:s7], $0x5FFFF;
	_ =	strace $0x90000046  }
0xb2: {  	s29 =	simm.s32 $0x9;
	_ =	strace $0x80000048  }
0xb3: {  	_ =	swait.ge [sflag:s29], $0x1  }
0xb4: {  	[sflag:s29] =	ssyncadd.s32 $0xFFFFFFFF  }
0xb5: {  	_ =	strace $0x90000048  }
0xb6: {  	_ =	sfence  }
0xb7: {  	s30 =	sld [smem:$0x0];
	_ =	sdelay $0x2  }
0xb8: {  	s31 =	sshll.u32 s1, $0xD;
	s1 =	sshrl.u32 s1, $0x2  }
0xb9: {  	s3 =	sand.u32 $0x4000, s31;
	s1 =	sadd.s32 s1, s30  }
0xba: {  	s0 =	sor.u32 s3, s0;
	s1 =	sshll.u32 s1, $0x11  }
0xbb: {  	s0 =	sor.u32 s1, s0  }
0xbc: {  	s0 =	sadd.s32 $0x8F2B, s0  }
0xbd: {  	[sflag:s0] =	ssyncadd.remote.s32 $0x1  }
0xbe: {  	_ =	sfence.sel $0xFFFF  }
0xbf: {  	[dreg:$0x0] =	wrdreg $0xFFFFFFFF;
	(pc) =	sbr.abs _section_cstart, $3  }
0xc0: {  	[dreg:$0x1] =	wrdreg $0xFFFFFFFF  }
0xc1: {  	_ =	task.clear_ibuf [dreg:s7], $0x2FFFF;
	_ =	strace $0x9FFFFFFF  }
0xc2: {  	(tm) =	ssettm $0x7FFFFFFF  }
0xc3: {  	_ =	shalt  }
tec
execute0_lowered:
.L_overlay_start_1:
0x0: {  	(tag) =	ssettag $0x1  }
0x1: {  	s0 =	srdreg.scid;
	s2 =	stileid.u32  }
0x2: {  	s1 =	rddreg [dreg:$0x0];
	s8 =	simm.s32 $0x9;
	s9 =	simm.s32 $0x64  }
0x3: {  	s16 =	simm.s32 $0xCE80;
	s17 =	simm.s32 $0x1;
	s18 =	simm.s32 $0xDB00  }
0x4: {  	s19 =	simm.s32 $0x2;
	s20 =	simm.s32 $0xE900;
	s21 =	simm.s32 $0x3  }
0x5: {  	s22 =	simm.s32 $0xF700;
	s23 =	simm.s32 $0x4;
	s24 =	simm.s32 $0x10500  }
0x6: {  	s25 =	simm.s32 $0x5;
	s26 =	simm.s32 $0x6;
	s28 =	simm.s32 $0x7  }
0x7: {  	s29 =	simm.s32 $0x8;
	s0 =	sand.u32 $0x1, s0;
	s3 =	sshll.u32 s2, $0x1  }
0x8: {  	s30 =	simm.s32 $0x0;
	s2 =	rddreg [dreg:$0x1];
	s6 =	sor.u32 s0, s3  }
0x9: {  	v0 =	vlaneseq.u32;
	s3 =	simm.s32 $0x0;
	s0 =	ssub.s32 $0x2, s0;
	s4 =	smul.u32 $0x1520, s6  }
0xa: {  	v0 =	vmul.u32 $0x38, v0;
	[smem:$0x7FF] =	sst s3;
	s7 =	sshrl.u32 s0, $0x1;
	s6 =	sshll.u32 s6, $0x5  }
0xb: {  	_ =	strace $0x80000047;
	s0 =	ssub.s32 s0, s7;
	s5 =	sadd.s32 s4, s1  }
0xc: {  	v1 =	vadd.s32 $0x380, v0;
	v2 =	vadd.s32 $0x700, v0;
	v3 =	vadd.s32 $0xA80, v0;
	s4 =	sadd.s32 $0x2AE00, s1;
	s7 =	smax.u32 s0, $0x1;
	s5 =	sadd.s32 $0xA00, s5  }
.LBB2_1:
0xd: {  	[tilespmem:s3], [sflag:$0x9] =	stream.linear.gather [hbm4b:s5+s3], $0xA900, $0x38;
	[tilespmem:$0x11300] =	vst v63  }
0xe: {  	_ =	swait.ge [sflag:s8], $0xA900  }
0xf: {  	[sflag:s8] =	ssyncset.done $0x0  }
0x10: {  	s0 =	simm.s32 $0xA900;
	[sflag:s8] =	ssyncadd.s32 $0xFFFF5700  }
0x11: {  	[tilespmem:s0], [sflag:$0x1] =	stream.indirect.gather [hbm4b:s2+s9], $0x20, s3, s9, $0xb8;
	[tilespmem:$0x11300] =	vst v63  }
0x12: {  	s12 =	simm.s32 $0x68;
	s1 =	simm.s32 $0xB580  }
0x13: {  	[tilespmem:s1], [sflag:$0x2] =	stream.indirect.gather [hbm4b:s2+s9], $0x20, s12, s9, $0xb8;
	[tilespmem:$0x11300] =	vst v63  }
0x14: {  	s13 =	simm.s32 $0xD0;
	s14 =	simm.s32 $0xC200  }
0x15: {  	[tilespmem:s14], [sflag:$0x3] =	stream.indirect.gather [hbm4b:s2+s9], $0x20, s13, s9, $0xb8;
	[tilespmem:$0x11300] =	vst v63  }
0x16: {  	s15 =	simm.s32 $0x138;
	s31 =	simm.s32 $0x0  }
0x17: {  	[tilespmem:s16], [sflag:$0x4] =	stream.indirect.gather [hbm4b:s2+s9], $0x20, s15, s9, $0xb8;
	[tilespmem:$0x11300] =	vst v63  }
.LBB2_2:
0x18: {  	_ =	swait.ge [sflag:s17], $0xC80  }
0x19: {  	p1 =	seq.s32 s31, $0x0;
	[sflag:s17] =	ssyncset.done $0x0  }
0x1a: {  	s0 =	simm.s32 @!p1 $0x5;
	[sflag:s17] =	ssyncadd.s32 $0xFFFFF380  }
0x1b: {  	s1 =	simm.s32 $0x0;
	_ =	swait.ge @!p1 [sflag:s0], $0xE00  }
0x1c: {  	v4 =	vmov s1;
	[sflag:s0] =	ssyncset.done @!p1 $0x0  }
0x1d: {  	v4 =	vand.u32 $0x3E, v4;
	[sflag:s0] =	ssyncadd.s32 @!p1 $0xFFFFF200;
	s0 =	simm.s32 $0xAF70  }
0x1e: {  	v6 =	vadd.s32 v0, v4;
	v5 =	vld [tilespmem:s0+$0xFFFFF990]  }
0x1f: {  	v8 =	vadd.s32 v1, v4;
	v7 =	vld [tilespmem:s0+$0xFFFFF9A0];
	_ =	sdelay $0x3  }
0x20: {  	[tilespmem:v6+s18+$0x0] =	vst.idx.msk $0xffff, v5  }
0x21: {  	[tilespmem:v8+s18+$0x0] =	vst.idx.msk $0xffff, v7  }
0x22: {  	v6 =	vadd.s32 v2, v4;
	v5 =	vld [tilespmem:s0+$0xFFFFFFD0]  }
0x23: {  	v4 =	vadd.s32 v3, v4;
	v7 =	vld [tilespmem:s0+$0xFFFFFFE0];
	_ =	sdelay $0x2  }
0x24: {  	s15 =	simm.s32 $0x1  }
0x25: {  	[tilespmem:v6+s18+$0x0] =	vst.idx.msk $0xffff, v5;
	v5 =	vmov s15  }
0x26: {  	[tilespmem:v4+s18+$0x0] =	vst.idx.msk $0xffff, v7;
	v5 =	vand.u32 $0x3F, v5  }
0x27: {  	v4 =	vld [tilespmem:s0+$0xFFFFF9B0];
	v6 =	vadd.s32 v0, v5  }
0x28: {  	v7 =	vld [tilespmem:s0+$0xFFFFF9C0];
	v8 =	vadd.s32 v1, v5;
	_ =	sdelay $0x3  }
0x29: {  	[tilespmem:v6+s18+$0x0] =	vst.idx.msk $0xffff, v4  }
0x2a: {  	[tilespmem:v8+s18+$0x0] =	vst.idx.msk $0xffff, v7  }
0x2b: {  	v8 =	vadd.s32 v2, v5;
	v7 =	vld [tilespmem:s0+$0xFFFFFFF0];
	_ =	sdelay $0x1  }
0x2c: {  	v5 =	vadd.s32 v3, v5;
	v4 =	vld [tilespmem:s0+$0x0];
	_ =	sdelay $0x1  }
0x2d: {  	s10 =	simm.s32 $0x2  }
0x2e: {  	s11 =	simm.s32 $0x4;
	s1 =	sshll.u32 s31, $0x2;
	v6 =	vmov s10;
	[tilespmem:v8+s18+$0x0] =	vst.idx.msk $0xffff, v7  }
.LBB2_3:
0x2f: {  	p0 =	slt.u32 s11, $0x30  }
0x30: {  	v6 =	vand.u32 $0x3E, v6;
	[tilespmem:v5+s18+$0x0] =	vst.idx.msk $0xffff, v4;
	s0 =	sadd.s32 $0x40, s0;
	s12 =	smov.u32 s11;
	s11 =	sadd.s32 $0x2, s11  }
0x31: {  	v4 =	vld [tilespmem:s0+$0xFFFFF990];
	v5 =	vadd.s32 v0, v6  }
0x32: {  	v8 =	vadd.s32 v1, v6;
	v7 =	vld [tilespmem:s0+$0xFFFFF9A0];
	_ =	sdelay $0x3  }
0x33: {  	[tilespmem:v5+s18+$0x0] =	vst.idx.msk $0xffff, v4  }
0x34: {  	[tilespmem:v8+s18+$0x0] =	vst.idx.msk $0xffff, v7  }
0x35: {  	v5 =	vadd.s32 v2, v6;
	v4 =	vld [tilespmem:s0+$0xFFFFFFD0]  }
0x36: {  	v6 =	vadd.s32 v3, v6;
	v7 =	vld [tilespmem:s0+$0xFFFFFFE0];
	_ =	sdelay $0x2  }
0x37: {  	s13 =	sadd.s32 $0x1, s10;
	s10 =	smov.u32 s12  }
0x38: {  	[tilespmem:v5+s18+$0x0] =	vst.idx.msk $0xffff, v4;
	v4 =	vmov s13  }
0x39: {  	[tilespmem:v6+s18+$0x0] =	vst.idx.msk $0xffff, v7;
	v5 =	vand.u32 $0x3F, v4  }
0x3a: {  	v4 =	vld [tilespmem:s0+$0xFFFFF9B0];
	v6 =	vadd.s32 v0, v5  }
0x3b: {  	v8 =	vadd.s32 v1, v5;
	v7 =	vld [tilespmem:s0+$0xFFFFF9C0];
	_ =	sdelay $0x3  }
0x3c: {  	[tilespmem:v6+s18+$0x0] =	vst.idx.msk $0xffff, v4  }
0x3d: {  	[tilespmem:v8+s18+$0x0] =	vst.idx.msk $0xffff, v7  }
0x3e: {  	v8 =	vadd.s32 v2, v5;
	v7 =	vld [tilespmem:s0+$0xFFFFFFF0]  }
.Ltmp0:
0x3f: {  	v5 =	vadd.s32 v3, v5;
	v4 =	vld [tilespmem:s0+$0x0];
	(pc) =	sbr.rel @p0 .LBB2_3-.Ltmp0, $2  }
0x40: {  	_ =	sdelay $0x2  }
0x41: {  	v6 =	vmov s10;
	[tilespmem:v8+s18+$0x0] =	vst.idx.msk $0xffff, v7  }
0x42: {  	_ =	sdelay $0x3  }
0x43: {  	v6 =	vand.u32 $0x3E, v6;
	[tilespmem:v5+s18+$0x0] =	vst.idx.msk $0xffff, v4;
	s0 =	sadd.s32 $0x40, s0  }
0x44: {  	v4 =	vld [tilespmem:s0+$0xFFFFF990];
	v5 =	vadd.s32 v0, v6  }
0x45: {  	v7 =	vld [tilespmem:s0+$0xFFFFF9A0];
	v8 =	vadd.s32 v1, v6;
	_ =	sdelay $0x3  }
0x46: {  	[tilespmem:v5+s18+$0x0] =	vst.idx.msk $0xffff, v4  }
0x47: {  	[tilespmem:v8+s18+$0x0] =	vst.idx.msk $0xffff, v7  }
0x48: {  	v5 =	vadd.s32 v2, v6;
	v4 =	vld [tilespmem:s0+$0xFFFFFFD0]  }
0x49: {  	v6 =	vadd.s32 v3, v6;
	v7 =	vld [tilespmem:s0+$0xFFFFFFE0];
	_ =	sdelay $0x2  }
0x4a: {  	s10 =	sadd.s32 $0x1, s10  }
0x4b: {  	[tilespmem:v5+s18+$0x0] =	vst.idx.msk $0xffff, v4;
	v4 =	vmov s10  }
0x4c: {  	[tilespmem:v6+s18+$0x0] =	vst.idx.msk $0xffff, v7;
	v4 =	vand.u32 $0x3F, v4  }
0x4d: {  	v5 =	vld [tilespmem:s0+$0xFFFFF9B0];
	v6 =	vadd.s32 v0, v4  }
0x4e: {  	v7 =	vld [tilespmem:s0+$0xFFFFF9C0];
	v8 =	vadd.s32 v1, v4;
	_ =	sdelay $0x1  }
0x4f: {  	s13 =	smulhi.u32 $0x4EC4EC4F, s1;
	_ =	sdelay $0x1  }
0x50: {  	s10 =	sshrl.u32 s13, $0x2;
	[tilespmem:v6+s18+$0x0] =	vst.idx.msk $0xffff, v5  }
0x51: {  	s11 =	smul.u32 $0xD, s10;
	[tilespmem:v8+s18+$0x0] =	vst.idx.msk $0xffff, v7  }
0x52: {  	s10 =	sadd.s32 s6, s10;
	v6 =	vadd.s32 v2, v4;
	v5 =	vld [tilespmem:s0+$0xFFFFFFF0]  }
0x53: {  	s10 =	smul.u32 $0xB600, s10;
	s11 =	ssub.s32 s1, s11;
	v4 =	vadd.s32 v3, v4;
	v7 =	vld [tilespmem:s0+$0x0]  }
0x54: {  	p0 =	seq.s32 s31, $0x67;
	s11 =	smul.u32 $0xE00, s11  }
0x55: {  	s0 =	smul.u32 @!p0 $0x680, s31;
	_ =	sdelay $0x1  }
0x56: {  	s14 =	simm.s32 @!p0 $0xA900;
	s10 =	sadd.s32 s11, s10;
	s0 =	sshra.s32 @!p0 s0, $0x2;
	[tilespmem:v6+s18+$0x0] =	vst.idx.msk $0xffff, v5  }
0x57: {  	s13 =	simm.s32 @!p0 $0x64;
	s10 =	sshrl.u32 s10, $0x3;
	s12 =	sadd.s32 @!p0 $0x1A0, s0;
	[tilespmem:v4+s18+$0x0] =	vst.idx.msk $0xffff, v7  }
0x58: {  	[tilespmem:s14], [sflag:$0x1] =	stream.indirect.gather @!p0 [hbm4b:s2+s13], $0x20, s12, s13, $0xb8;
	[tilespmem:$0x11300] =	vst v63  }
0x59: {  	s10 =	sadd.s32 s4, s10  }
0x5a: {  	[hbm4b:s10+s3] =	stream.linear.scatter [tilespmem:s18], [sflag:$0x5], $0xE00, $0x38;
	[tilespmem:$0x11300] =	vst v63  }
0x5b: {  	_ =	swait.ge [sflag:s19], $0xC80  }
0x5c: {  	[sflag:s19] =	ssyncset.done $0x0  }
0x5d: {  	s10 =	simm.s32 @!p1 $0x6;
	[sflag:s19] =	ssyncadd.s32 $0xFFFFF380  }
0x5e: {  	s14 =	simm.s32 $0x0;
	_ =	swait.ge @!p1 [sflag:s10], $0xE00  }
0x5f: {  	v4 =	vmov s14;
	[sflag:s10] =	ssyncset.done @!p1 $0x0  }
0x60: {  	s11 =	simm.s32 $0xBBF0;
	v4 =	vand.u32 $0x3E, v4;
	[sflag:s10] =	ssyncadd.s32 @!p1 $0xFFFFF200  }
0x61: {  	v6 =	vadd.s32 v0, v4;
	v5 =	vld [tilespmem:s11+$0xFFFFF990]  }
0x62: {  	v8 =	vadd.s32 v1, v4;
	v7 =	vld [tilespmem:s11+$0xFFFFF9A0];
	_ =	sdelay $0x3  }
0x63: {  	[tilespmem:v6+s20+$0x0] =	vst.idx.msk $0xffff, v5  }
0x64: {  	[tilespmem:v8+s20+$0x0] =	vst.idx.msk $0xffff, v7  }
0x65: {  	v6 =	vadd.s32 v2, v4;
	v5 =	vld [tilespmem:s11+$0xFFFFFFD0]  }
0x66: {  	v4 =	vadd.s32 v3, v4;
	v7 =	vld [tilespmem:s11+$0xFFFFFFE0];
	_ =	sdelay $0x2  }
0x67: {  	s15 =	simm.s32 $0x1  }
0x68: {  	[tilespmem:v6+s20+$0x0] =	vst.idx.msk $0xffff, v5;
	v5 =	vmov s15  }
0x69: {  	[tilespmem:v4+s20+$0x0] =	vst.idx.msk $0xffff, v7;
	v5 =	vand.u32 $0x3F, v5  }
0x6a: {  	v4 =	vld [tilespmem:s11+$0xFFFFF9B0];
	v6 =	vadd.s32 v0, v5  }
0x6b: {  	v7 =	vld [tilespmem:s11+$0xFFFFF9C0];
	v8 =	vadd.s32 v1, v5;
	_ =	sdelay $0x3  }
0x6c: {  	[tilespmem:v6+s20+$0x0] =	vst.idx.msk $0xffff, v4  }
0x6d: {  	[tilespmem:v8+s20+$0x0] =	vst.idx.msk $0xffff, v7  }
0x6e: {  	v8 =	vadd.s32 v2, v5;
	v7 =	vld [tilespmem:s11+$0xFFFFFFF0];
	_ =	sdelay $0x1  }
0x6f: {  	v5 =	vadd.s32 v3, v5;
	v4 =	vld [tilespmem:s11+$0x0];
	_ =	sdelay $0x1  }
0x70: {  	s12 =	simm.s32 $0x2  }
0x71: {  	s13 =	simm.s32 $0x4;
	s10 =	sor.u32 $0x1, s1;
	v6 =	vmov s12;
	[tilespmem:v8+s20+$0x0] =	vst.idx.msk $0xffff, v7  }
.LBB2_5:
0x72: {  	p2 =	slt.u32 s13, $0x30  }
0x73: {  	v6 =	vand.u32 $0x3E, v6;
	[tilespmem:v5+s20+$0x0] =	vst.idx.msk $0xffff, v4;
	s11 =	sadd.s32 $0x40, s11;
	s14 =	smov.u32 s13;
	s13 =	sadd.s32 $0x2, s13  }
0x74: {  	v4 =	vld [tilespmem:s11+$0xFFFFF990];
	v5 =	vadd.s32 v0, v6  }
0x75: {  	v8 =	vadd.s32 v1, v6;
	v7 =	vld [tilespmem:s11+$0xFFFFF9A0];
	_ =	sdelay $0x3  }
0x76: {  	[tilespmem:v5+s20+$0x0] =	vst.idx.msk $0xffff, v4  }
0x77: {  	[tilespmem:v8+s20+$0x0] =	vst.idx.msk $0xffff, v7  }
0x78: {  	v5 =	vadd.s32 v2, v6;
	v4 =	vld [tilespmem:s11+$0xFFFFFFD0]  }
0x79: {  	v6 =	vadd.s32 v3, v6;
	v7 =	vld [tilespmem:s11+$0xFFFFFFE0];
	_ =	sdelay $0x2  }
0x7a: {  	s15 =	sadd.s32 $0x1, s12;
	s12 =	smov.u32 s14  }
0x7b: {  	[tilespmem:v5+s20+$0x0] =	vst.idx.msk $0xffff, v4;
	v4 =	vmov s15  }
0x7c: {  	[tilespmem:v6+s20+$0x0] =	vst.idx.msk $0xffff, v7;
	v5 =	vand.u32 $0x3F, v4  }
0x7d: {  	v4 =	vld [tilespmem:s11+$0xFFFFF9B0];
	v6 =	vadd.s32 v0, v5  }
0x7e: {  	v8 =	vadd.s32 v1, v5;
	v7 =	vld [tilespmem:s11+$0xFFFFF9C0];
	_ =	sdelay $0x3  }
0x7f: {  	[tilespmem:v6+s20+$0x0] =	vst.idx.msk $0xffff, v4  }
0x80: {  	[tilespmem:v8+s20+$0x0] =	vst.idx.msk $0xffff, v7  }
0x81: {  	v8 =	vadd.s32 v2, v5;
	v7 =	vld [tilespmem:s11+$0xFFFFFFF0]  }
.Ltmp1:
0x82: {  	v5 =	vadd.s32 v3, v5;
	v4 =	vld [tilespmem:s11+$0x0];
	(pc) =	sbr.rel @p2 .LBB2_5-.Ltmp1, $2  }
0x83: {  	_ =	sdelay $0x2  }
0x84: {  	v6 =	vmov s12;
	[tilespmem:v8+s20+$0x0] =	vst.idx.msk $0xffff, v7  }
0x85: {  	_ =	sdelay $0x3  }
0x86: {  	v6 =	vand.u32 $0x3E, v6;
	[tilespmem:v5+s20+$0x0] =	vst.idx.msk $0xffff, v4;
	s11 =	sadd.s32 $0x40, s11  }
0x87: {  	v4 =	vld [tilespmem:s11+$0xFFFFF990];
	v5 =	vadd.s32 v0, v6  }
0x88: {  	v7 =	vld [tilespmem:s11+$0xFFFFF9A0];
	v8 =	vadd.s32 v1, v6;
	_ =	sdelay $0x3  }
0x89: {  	[tilespmem:v5+s20+$0x0] =	vst.idx.msk $0xffff, v4  }
0x8a: {  	[tilespmem:v8+s20+$0x0] =	vst.idx.msk $0xffff, v7  }
0x8b: {  	v5 =	vadd.s32 v2, v6;
	v4 =	vld [tilespmem:s11+$0xFFFFFFD0]  }
0x8c: {  	v6 =	vadd.s32 v3, v6;
	v7 =	vld [tilespmem:s11+$0xFFFFFFE0];
	_ =	sdelay $0x2  }
0x8d: {  	s12 =	sadd.s32 $0x1, s12  }
0x8e: {  	[tilespmem:v5+s20+$0x0] =	vst.idx.msk $0xffff, v4;
	v4 =	vmov s12  }
0x8f: {  	[tilespmem:v6+s20+$0x0] =	vst.idx.msk $0xffff, v7;
	v4 =	vand.u32 $0x3F, v4  }
0x90: {  	v5 =	vld [tilespmem:s11+$0xFFFFF9B0];
	v6 =	vadd.s32 v0, v4  }
0x91: {  	v7 =	vld [tilespmem:s11+$0xFFFFF9C0];
	v8 =	vadd.s32 v1, v4;
	_ =	sdelay $0x1  }
0x92: {  	s13 =	smulhi.u32 $0x4EC4EC4F, s10;
	_ =	sdelay $0x1  }
0x93: {  	s14 =	sshrl.u32 s13, $0x2;
	[tilespmem:v6+s20+$0x0] =	vst.idx.msk $0xffff, v5  }
0x94: {  	s12 =	smul.u32 $0xD, s14;
	[tilespmem:v8+s20+$0x0] =	vst.idx.msk $0xffff, v7  }
0x95: {  	v6 =	vadd.s32 v2, v4;
	v5 =	vld [tilespmem:s11+$0xFFFFFFF0]  }
0x96: {  	s15 =	ssub.s32 s10, s12;
	v4 =	vadd.s32 v3, v4;
	v7 =	vld [tilespmem:s11+$0x0]  }
0x97: {  	s10 =	smul.u32 $0xE00, s15;
	s11 =	sadd.s32 s6, s14  }
0x98: {  	s11 =	smul.u32 $0xB600, s11;
	_ =	sdelay $0x1  }
0x99: {  	s13 =	sadd.s32 @!p0 $0x208, s0;
	s10 =	sadd.s32 s10, s11;
	[tilespmem:v6+s20+$0x0] =	vst.idx.msk $0xffff, v5  }
0x9a: {  	s12 =	simm.s32 @!p0 $0x64;
	s14 =	simm.s32 @!p0 $0xB580;
	s10 =	sshrl.u32 s10, $0x3;
	[tilespmem:v4+s20+$0x0] =	vst.idx.msk $0xffff, v7  }
0x9b: {  	[tilespmem:s14], [sflag:$0x2] =	stream.indirect.gather @!p0 [hbm4b:s2+s12], $0x20, s13, s12, $0xb8;
	[tilespmem:$0x11300] =	vst v63  }
0x9c: {  	s10 =	sadd.s32 s4, s10  }
0x9d: {  	[hbm4b:s10+s3] =	stream.linear.scatter [tilespmem:s20], [sflag:$0x6], $0xE00, $0x38;
	[tilespmem:$0x11300] =	vst v63  }
0x9e: {  	_ =	swait.ge [sflag:s21], $0xC80  }
0x9f: {  	[sflag:s21] =	ssyncset.done $0x0  }
0xa0: {  	s10 =	simm.s32 @!p1 $0x7;
	[sflag:s21] =	ssyncadd.s32 $0xFFFFF380  }
0xa1: {  	s14 =	simm.s32 $0x0;
	_ =	swait.ge @!p1 [sflag:s10], $0xE00  }
0xa2: {  	v4 =	vmov s14;
	[sflag:s10] =	ssyncset.done @!p1 $0x0  }
0xa3: {  	s11 =	simm.s32 $0xC870;
	v4 =	vand.u32 $0x3E, v4;
	[sflag:s10] =	ssyncadd.s32 @!p1 $0xFFFFF200  }
0xa4: {  	v6 =	vadd.s32 v0, v4;
	v5 =	vld [tilespmem:s11+$0xFFFFF990]  }
0xa5: {  	v8 =	vadd.s32 v1, v4;
	v7 =	vld [tilespmem:s11+$0xFFFFF9A0];
	_ =	sdelay $0x3  }
0xa6: {  	[tilespmem:v6+s22+$0x0] =	vst.idx.msk $0xffff, v5  }
0xa7: {  	[tilespmem:v8+s22+$0x0] =	vst.idx.msk $0xffff, v7  }
0xa8: {  	v6 =	vadd.s32 v2, v4;
	v5 =	vld [tilespmem:s11+$0xFFFFFFD0]  }
0xa9: {  	v4 =	vadd.s32 v3, v4;
	v7 =	vld [tilespmem:s11+$0xFFFFFFE0];
	_ =	sdelay $0x2  }
0xaa: {  	s15 =	simm.s32 $0x1  }
0xab: {  	[tilespmem:v6+s22+$0x0] =	vst.idx.msk $0xffff, v5;
	v5 =	vmov s15  }
0xac: {  	[tilespmem:v4+s22+$0x0] =	vst.idx.msk $0xffff, v7;
	v5 =	vand.u32 $0x3F, v5  }
0xad: {  	v4 =	vld [tilespmem:s11+$0xFFFFF9B0];
	v6 =	vadd.s32 v0, v5  }
0xae: {  	v7 =	vld [tilespmem:s11+$0xFFFFF9C0];
	v8 =	vadd.s32 v1, v5;
	_ =	sdelay $0x3  }
0xaf: {  	[tilespmem:v6+s22+$0x0] =	vst.idx.msk $0xffff, v4  }
0xb0: {  	[tilespmem:v8+s22+$0x0] =	vst.idx.msk $0xffff, v7  }
0xb1: {  	v8 =	vadd.s32 v2, v5;
	v7 =	vld [tilespmem:s11+$0xFFFFFFF0];
	_ =	sdelay $0x1  }
0xb2: {  	v5 =	vadd.s32 v3, v5;
	v4 =	vld [tilespmem:s11+$0x0];
	_ =	sdelay $0x1  }
0xb3: {  	s12 =	simm.s32 $0x2  }
0xb4: {  	s13 =	simm.s32 $0x4;
	s10 =	sor.u32 $0x2, s1;
	v6 =	vmov s12;
	[tilespmem:v8+s22+$0x0] =	vst.idx.msk $0xffff, v7  }
.LBB2_7:
0xb5: {  	p2 =	slt.u32 s13, $0x30  }
0xb6: {  	v6 =	vand.u32 $0x3E, v6;
	[tilespmem:v5+s22+$0x0] =	vst.idx.msk $0xffff, v4;
	s11 =	sadd.s32 $0x40, s11;
	s14 =	smov.u32 s13;
	s13 =	sadd.s32 $0x2, s13  }
0xb7: {  	v4 =	vld [tilespmem:s11+$0xFFFFF990];
	v5 =	vadd.s32 v0, v6  }
0xb8: {  	v8 =	vadd.s32 v1, v6;
	v7 =	vld [tilespmem:s11+$0xFFFFF9A0];
	_ =	sdelay $0x3  }
0xb9: {  	[tilespmem:v5+s22+$0x0] =	vst.idx.msk $0xffff, v4  }
0xba: {  	[tilespmem:v8+s22+$0x0] =	vst.idx.msk $0xffff, v7  }
0xbb: {  	v5 =	vadd.s32 v2, v6;
	v4 =	vld [tilespmem:s11+$0xFFFFFFD0]  }
0xbc: {  	v6 =	vadd.s32 v3, v6;
	v7 =	vld [tilespmem:s11+$0xFFFFFFE0];
	_ =	sdelay $0x2  }
0xbd: {  	s15 =	sadd.s32 $0x1, s12;
	s12 =	smov.u32 s14  }
0xbe: {  	[tilespmem:v5+s22+$0x0] =	vst.idx.msk $0xffff, v4;
	v4 =	vmov s15  }
0xbf: {  	[tilespmem:v6+s22+$0x0] =	vst.idx.msk $0xffff, v7;
	v5 =	vand.u32 $0x3F, v4  }
0xc0: {  	v4 =	vld [tilespmem:s11+$0xFFFFF9B0];
	v6 =	vadd.s32 v0, v5  }
0xc1: {  	v8 =	vadd.s32 v1, v5;
	v7 =	vld [tilespmem:s11+$0xFFFFF9C0];
	_ =	sdelay $0x3  }
0xc2: {  	[tilespmem:v6+s22+$0x0] =	vst.idx.msk $0xffff, v4  }
0xc3: {  	[tilespmem:v8+s22+$0x0] =	vst.idx.msk $0xffff, v7  }
0xc4: {  	v8 =	vadd.s32 v2, v5;
	v7 =	vld [tilespmem:s11+$0xFFFFFFF0]  }
.Ltmp2:
0xc5: {  	v5 =	vadd.s32 v3, v5;
	v4 =	vld [tilespmem:s11+$0x0];
	(pc) =	sbr.rel @p2 .LBB2_7-.Ltmp2, $2  }
0xc6: {  	_ =	sdelay $0x2  }
0xc7: {  	v6 =	vmov s12;
	[tilespmem:v8+s22+$0x0] =	vst.idx.msk $0xffff, v7  }
0xc8: {  	_ =	sdelay $0x3  }
0xc9: {  	v6 =	vand.u32 $0x3E, v6;
	[tilespmem:v5+s22+$0x0] =	vst.idx.msk $0xffff, v4;
	s11 =	sadd.s32 $0x40, s11  }
0xca: {  	v4 =	vld [tilespmem:s11+$0xFFFFF990];
	v5 =	vadd.s32 v0, v6  }
0xcb: {  	v7 =	vld [tilespmem:s11+$0xFFFFF9A0];
	v8 =	vadd.s32 v1, v6;
	_ =	sdelay $0x3  }
0xcc: {  	[tilespmem:v5+s22+$0x0] =	vst.idx.msk $0xffff, v4  }
0xcd: {  	[tilespmem:v8+s22+$0x0] =	vst.idx.msk $0xffff, v7  }
0xce: {  	v5 =	vadd.s32 v2, v6;
	v4 =	vld [tilespmem:s11+$0xFFFFFFD0]  }
0xcf: {  	v6 =	vadd.s32 v3, v6;
	v7 =	vld [tilespmem:s11+$0xFFFFFFE0];
	_ =	sdelay $0x2  }
0xd0: {  	s12 =	sadd.s32 $0x1, s12  }
0xd1: {  	[tilespmem:v5+s22+$0x0] =	vst.idx.msk $0xffff, v4;
	v4 =	vmov s12  }
0xd2: {  	[tilespmem:v6+s22+$0x0] =	vst.idx.msk $0xffff, v7;
	v4 =	vand.u32 $0x3F, v4  }
0xd3: {  	v5 =	vld [tilespmem:s11+$0xFFFFF9B0];
	v6 =	vadd.s32 v0, v4  }
0xd4: {  	v7 =	vld [tilespmem:s11+$0xFFFFF9C0];
	v8 =	vadd.s32 v1, v4;
	_ =	sdelay $0x1  }
0xd5: {  	s13 =	smulhi.u32 $0x4EC4EC4F, s10;
	_ =	sdelay $0x1  }
0xd6: {  	s14 =	sshrl.u32 s13, $0x2;
	[tilespmem:v6+s22+$0x0] =	vst.idx.msk $0xffff, v5  }
0xd7: {  	s12 =	smul.u32 $0xD, s14;
	[tilespmem:v8+s22+$0x0] =	vst.idx.msk $0xffff, v7  }
0xd8: {  	v6 =	vadd.s32 v2, v4;
	v5 =	vld [tilespmem:s11+$0xFFFFFFF0]  }
0xd9: {  	s15 =	ssub.s32 s10, s12;
	v4 =	vadd.s32 v3, v4;
	v7 =	vld [tilespmem:s11+$0x0]  }
0xda: {  	s10 =	smul.u32 $0xE00, s15;
	s11 =	sadd.s32 s6, s14  }
0xdb: {  	s11 =	smul.u32 $0xB600, s11;
	_ =	sdelay $0x1  }
0xdc: {  	s13 =	sadd.s32 @!p0 $0x270, s0;
	s10 =	sadd.s32 s10, s11;
	[tilespmem:v6+s22+$0x0] =	vst.idx.msk $0xffff, v5  }
0xdd: {  	s12 =	simm.s32 @!p0 $0x64;
	s14 =	simm.s32 @!p0 $0xC200;
	s10 =	sshrl.u32 s10, $0x3;
	[tilespmem:v4+s22+$0x0] =	vst.idx.msk $0xffff, v7  }
0xde: {  	[tilespmem:s14], [sflag:$0x3] =	stream.indirect.gather @!p0 [hbm4b:s2+s12], $0x20, s13, s12, $0xb8;
	[tilespmem:$0x11300] =	vst v63  }
0xdf: {  	s10 =	sadd.s32 s4, s10  }
0xe0: {  	[hbm4b:s10+s3] =	stream.linear.scatter [tilespmem:s22], [sflag:$0x7], $0xE00, $0x38;
	[tilespmem:$0x11300] =	vst v63  }
0xe1: {  	_ =	swait.ge [sflag:s23], $0xC80  }
0xe2: {  	[sflag:s23] =	ssyncset.done $0x0  }
0xe3: {  	s10 =	simm.s32 @!p1 $0x8;
	[sflag:s23] =	ssyncadd.s32 $0xFFFFF380  }
0xe4: {  	s14 =	simm.s32 $0x0;
	_ =	swait.ge @!p1 [sflag:s10], $0xE00  }
0xe5: {  	v4 =	vmov s14;
	[sflag:s10] =	ssyncset.done @!p1 $0x0  }
0xe6: {  	v4 =	vand.u32 $0x3E, v4;
	[sflag:s10] =	ssyncadd.s32 @!p1 $0xFFFFF200;
	s10 =	simm.s32 $0xD4F0  }
0xe7: {  	v6 =	vadd.s32 v0, v4;
	v5 =	vld [tilespmem:s10+$0xFFFFF990]  }
0xe8: {  	v8 =	vadd.s32 v1, v4;
	v7 =	vld [tilespmem:s10+$0xFFFFF9A0];
	_ =	sdelay $0x3  }
0xe9: {  	[tilespmem:v6+s24+$0x0] =	vst.idx.msk $0xffff, v5  }
0xea: {  	[tilespmem:v8+s24+$0x0] =	vst.idx.msk $0xffff, v7  }
0xeb: {  	v6 =	vadd.s32 v2, v4;
	v5 =	vld [tilespmem:s10+$0xFFFFFFD0]  }
0xec: {  	v4 =	vadd.s32 v3, v4;
	v7 =	vld [tilespmem:s10+$0xFFFFFFE0];
	_ =	sdelay $0x2  }
0xed: {  	s15 =	simm.s32 $0x1  }
0xee: {  	[tilespmem:v6+s24+$0x0] =	vst.idx.msk $0xffff, v5;
	v5 =	vmov s15  }
0xef: {  	[tilespmem:v4+s24+$0x0] =	vst.idx.msk $0xffff, v7;
	v5 =	vand.u32 $0x3F, v5  }
0xf0: {  	v4 =	vld [tilespmem:s10+$0xFFFFF9B0];
	v6 =	vadd.s32 v0, v5  }
0xf1: {  	v7 =	vld [tilespmem:s10+$0xFFFFF9C0];
	v8 =	vadd.s32 v1, v5;
	_ =	sdelay $0x3  }
0xf2: {  	[tilespmem:v6+s24+$0x0] =	vst.idx.msk $0xffff, v4  }
0xf3: {  	[tilespmem:v8+s24+$0x0] =	vst.idx.msk $0xffff, v7  }
0xf4: {  	v8 =	vadd.s32 v2, v5;
	v7 =	vld [tilespmem:s10+$0xFFFFFFF0];
	_ =	sdelay $0x1  }
0xf5: {  	v5 =	vadd.s32 v3, v5;
	v4 =	vld [tilespmem:s10+$0x0];
	_ =	sdelay $0x1  }
0xf6: {  	s11 =	simm.s32 $0x2  }
0xf7: {  	s1 =	sor.u32 $0x3, s1;
	s12 =	simm.s32 $0x4;
	v6 =	vmov s11;
	[tilespmem:v8+s24+$0x0] =	vst.idx.msk $0xffff, v7  }
.LBB2_9:
0xf8: {  	p1 =	slt.u32 s12, $0x30  }
0xf9: {  	v6 =	vand.u32 $0x3E, v6;
	[tilespmem:v5+s24+$0x0] =	vst.idx.msk $0xffff, v4;
	s10 =	sadd.s32 $0x40, s10;
	s13 =	smov.u32 s12;
	s12 =	sadd.s32 $0x2, s12  }
0xfa: {  	v4 =	vld [tilespmem:s10+$0xFFFFF990];
	v5 =	vadd.s32 v0, v6  }
0xfb: {  	v8 =	vadd.s32 v1, v6;
	v7 =	vld [tilespmem:s10+$0xFFFFF9A0];
	_ =	sdelay $0x3  }
0xfc: {  	[tilespmem:v5+s24+$0x0] =	vst.idx.msk $0xffff, v4  }
0xfd: {  	[tilespmem:v8+s24+$0x0] =	vst.idx.msk $0xffff, v7  }
0xfe: {  	v5 =	vadd.s32 v2, v6;
	v4 =	vld [tilespmem:s10+$0xFFFFFFD0]  }
0xff: {  	v6 =	vadd.s32 v3, v6;
	v7 =	vld [tilespmem:s10+$0xFFFFFFE0];
	_ =	sdelay $0x2  }
0x100: {  	s14 =	sadd.s32 $0x1, s11;
	s11 =	smov.u32 s13  }
0x101: {  	[tilespmem:v5+s24+$0x0] =	vst.idx.msk $0xffff, v4;
	v4 =	vmov s14  }
0x102: {  	[tilespmem:v6+s24+$0x0] =	vst.idx.msk $0xffff, v7;
	v5 =	vand.u32 $0x3F, v4  }
0x103: {  	v4 =	vld [tilespmem:s10+$0xFFFFF9B0];
	v6 =	vadd.s32 v0, v5  }
0x104: {  	v8 =	vadd.s32 v1, v5;
	v7 =	vld [tilespmem:s10+$0xFFFFF9C0];
	_ =	sdelay $0x3  }
0x105: {  	[tilespmem:v6+s24+$0x0] =	vst.idx.msk $0xffff, v4  }
0x106: {  	[tilespmem:v8+s24+$0x0] =	vst.idx.msk $0xffff, v7  }
0x107: {  	v8 =	vadd.s32 v2, v5;
	v7 =	vld [tilespmem:s10+$0xFFFFFFF0]  }
.Ltmp3:
0x108: {  	v5 =	vadd.s32 v3, v5;
	v4 =	vld [tilespmem:s10+$0x0];
	(pc) =	sbr.rel @p1 .LBB2_9-.Ltmp3, $2  }
0x109: {  	_ =	sdelay $0x2  }
0x10a: {  	v6 =	vmov s11;
	[tilespmem:v8+s24+$0x0] =	vst.idx.msk $0xffff, v7  }
0x10b: {  	_ =	sdelay $0x3  }
0x10c: {  	v6 =	vand.u32 $0x3E, v6;
	[tilespmem:v5+s24+$0x0] =	vst.idx.msk $0xffff, v4;
	s10 =	sadd.s32 $0x40, s10  }
0x10d: {  	v4 =	vld [tilespmem:s10+$0xFFFFF990];
	v5 =	vadd.s32 v0, v6  }
0x10e: {  	v7 =	vld [tilespmem:s10+$0xFFFFF9A0];
	v8 =	vadd.s32 v1, v6;
	_ =	sdelay $0x3  }
0x10f: {  	[tilespmem:v5+s24+$0x0] =	vst.idx.msk $0xffff, v4  }
0x110: {  	[tilespmem:v8+s24+$0x0] =	vst.idx.msk $0xffff, v7  }
0x111: {  	v5 =	vadd.s32 v2, v6;
	v4 =	vld [tilespmem:s10+$0xFFFFFFD0]  }
0x112: {  	v6 =	vadd.s32 v3, v6;
	v7 =	vld [tilespmem:s10+$0xFFFFFFE0];
	_ =	sdelay $0x2  }
0x113: {  	s11 =	sadd.s32 $0x1, s11  }
0x114: {  	[tilespmem:v5+s24+$0x0] =	vst.idx.msk $0xffff, v4;
	v4 =	vmov s11  }
0x115: {  	[tilespmem:v6+s24+$0x0] =	vst.idx.msk $0xffff, v7;
	v4 =	vand.u32 $0x3F, v4  }
0x116: {  	v5 =	vld [tilespmem:s10+$0xFFFFF9B0];
	v61 =	vadd.s32 v0, v4  }
0x117: {  	v7 =	vld [tilespmem:s10+$0xFFFFF9C0];
	v62 =	vadd.s32 v1, v4;
	_ =	sdelay $0x3  }
0x118: {  	[tilespmem:v61+s24+$0x0] =	vst.idx.msk $0xffff, v5  }
0x119: {  	[tilespmem:v62+s24+$0x0] =	vst.idx.msk $0xffff, v7  }
0x11a: {  	s12 =	smulhi.u32 $0x4EC4EC4F, s1;
	v63 =	vadd.s32 v2, v4;
	v5 =	vld [tilespmem:s10+$0xFFFFFFF0]  }
0x11b: {  	v4 =	vadd.s32 v3, v4;
	v7 =	vld [tilespmem:s10+$0x0]  }
0x11c: {  	s13 =	sshrl.u32 s12, $0x2  }
0x11d: {  	s11 =	smul.u32 $0xD, s13  }
0x11e: {  	s0 =	sadd.s32 @!p0 $0x2D8, s0  }
0x11f: {  	s31 =	sadd.s32 $0x1, s31;
	s12 =	simm.s32 @!p0 $0xCE80;
	s14 =	ssub.s32 s1, s11;
	[tilespmem:v63+s24+$0x0] =	vst.idx.msk $0xffff, v5  }
0x120: {  	s11 =	simm.s32 @!p0 $0x64;
	s1 =	smul.u32 $0xE00, s14;
	s10 =	sadd.s32 s6, s13;
	[tilespmem:v4+s24+$0x0] =	vst.idx.msk $0xffff, v7  }
0x121: {  	[tilespmem:s12], [sflag:$0x4] =	stream.indirect.gather @!p0 [hbm4b:s2+s11], $0x20, s0, s11, $0xb8;
	[tilespmem:$0x11300] =	vst v63  }
0x122: {  	s10 =	smul.u32 $0xB600, s10;
	p0 =	sne.s32 s31, $0x68  }
.Ltmp4:
0x123: {  	_ = 	snop;
	(pc) =	sbr.rel @p0 .LBB2_2-.Ltmp4, $4  }
0x124: {  	s15 =	sadd.s32 s1, s10  }
0x125: {  	s0 =	sshrl.u32 s15, $0x3  }
0x126: {  	s0 =	sadd.s32 s4, s0  }
0x127: {  	[hbm4b:s0+s3] =	stream.linear.scatter [tilespmem:s24], [sflag:$0x8], $0xE00, $0x38;
	[tilespmem:$0x11300] =	vst v63  }
0x128: {  	_ =	swait.ge [sflag:s25], $0xE00  }
0x129: {  	[sflag:s25] =	ssyncset.done $0x0  }
0x12a: {  	[sflag:s25] =	ssyncadd.s32 $0xFFFFF200  }
0x12b: {  	_ =	swait.ge [sflag:s26], $0xE00  }
0x12c: {  	[sflag:s26] =	ssyncset.done $0x0  }
0x12d: {  	s30 =	sadd.s32 $0x1, s30;
	[sflag:s26] =	ssyncadd.s32 $0xFFFFF200  }
0x12e: {  	p0 =	sne.s32 s30, s7;
	_ =	swait.ge [sflag:s28], $0xE00  }
.Ltmp5:
0x12f: {  	[sflag:s28] =	ssyncset.done $0x0;
	(pc) =	sbr.rel @p0 .LBB2_1-.Ltmp5, $4  }
0x130: {  	[sflag:s28] =	ssyncadd.s32 $0xFFFFF200  }
0x131: {  	_ =	swait.ge [sflag:s29], $0xE00  }
0x132: {  	[sflag:s29] =	ssyncset.done $0x0  }
0x133: {  	[sflag:s29] =	ssyncadd.s32 $0xFFFFF200  }
0x134: {  	_ =	sfence.sel $0x180000  }
0x135: {  	[bflag:$0x0] =	sbarrier.arrive $0xFFFF  }
0x136: {  	_ =	strace $0x90000047  }
0x137: {  	s0 =	stileid.u32;
	[bflag:$0x2] =	sbarrier.arrive $0xFFFF  }
0x138: {  	p0 =	sne.s32 s0, $0x0;
	s0 =	rddreg [dreg:$0x2]  }
0x139: {  	s0 =	sadd.s32 @!p0 $0x100000, s0  }
0x13a: {  	[sflag:s0] =	ssyncadd.tile.s32 @!p0 $0x1;
	_ =	shalt  }
.Lfunc_end2:
_tile_overlayer_lowered:
.L_overlay_start_2:
0x13b: {  	(tag) =	ssettag $0x2  }
0x13c: {  	s0 =	rddreg [dreg:$0x0];
	s2 =	stileid.u32  }
0x13d: {  	s1 =	rddreg [dreg:$0x1];
	p0 =	sne.s32 s2, $0x0  }
0x13e: {  	s3 =	rddreg [dreg:$0x2];
	[bflag:$0x3] =	sbarrier.arrive $0xFFFF;
	s2 =	simm.s32 @!p0 $0x1C09  }
0x13f: {  	[timem:s3], [sflag:s2] =	dma.local @!p0 [hbm:s0], s1  }
0x140: {  	s0 =	simm.s32 @!p0 $0x9  }
0x141: {  	_ =	swait.ge @!p0 [sflag:s0], s1  }
0x142: {  	s1 =	ssub.s32 @!p0 $0x0, s1;
	[sflag:s0] =	ssyncset.done @!p0 $0x0  }
0x143: {  	[sflag:s0] =	ssyncadd.s32 @!p0 s1  }
0x144: {  	[bflag:$0x3] =	sbarrier.arrive $0xFFFF  }
0x145: {  	_ =	shalt  }

// kernel: sparse-core-data-format-call.cloned.1.call-start
scs
called_computation_lowered:
.L_overlay_start_0:
0x0: {  	s2 =	sld [smem:$0x3FD9]  }
0x1: {  	s3 =	sld [smem:$0x3FFE];
	_ =	sdelay $0x1  }
0x2: {  	s1 =	srdreg.scid  }
0x3: {  	s0 =	sand.u32 $0x1, s1  }
0x4: {  	s18 =	sshll.u32 s0, $0xA;
	s2 =	sadd.s32 s3, s2  }
0x5: {  	s2 =	sadd.s32 s2, s18  }
0x6: {  	[smem:$0x3FC6] =	sst s2  }
0x7: {  	_ = 	snop  }
0x8: {  	s2 =	sld [smem:$0x3FD0];
	(tm) =	ssettm $0x1  }
0x9: {  	s19 =	sld [smem:$0x3FFB];
	_ =	sdelay $0x3  }
0xa: {  	_ =	strace s19  }
0xb: {  	s3 =	sld [smem:$0x3FFC];
	_ =	sdelay $0x3  }
0xc: {  	_ =	strace s3  }
0xd: {  	s3 =	sld [smem:$0x3FFD];
	_ =	sdelay $0x3  }
0xe: {  	_ =	strace s3  }
0xf: {  	_ =	strace $0x8FFFFFFF  }
0x10: {  	s20 =	sld [smem:$0x3FDB];
	_ =	sdelay $0x1  }
0x11: {  	s4 =	simm.s32 $_scs_section_size  }
0x12: {  	s5 =	simm.s32 $_size__tile_overlayer_lowered;
	s6 =	simm.s32 $_tile_overlayer_lowered  }
0x13: {  	s23 =	simm.s32 $0x1BFF;
	s22 =	sshll.u32 s6, $0x1;
	s3 =	sadd.s32 s4, s20  }
0x14: {  	s7 =	simm.s32 $0x0;
	s21 =	sshll.u32 s5, $0x1;
	s5 =	sadd.s32 s22, s3  }
0x15: {  	[timem:s7], [sflag:s23] =	dma.local [hbm:s5], s21  }
0x16: {  	_ =	swait.ge [sflag:s23], s21  }
0x17: {  	s4 =	ssub.s32 $0x0, s21;
	[sflag:s23] =	ssyncset.done $0x0  }
0x18: {  	[sflag:s23] =	ssyncadd.s32 s4;
	_ =	sdelay $0x1  }
0x19: {  	s24 =	simm.s32 $0x1B8B  }
0x1a: {  	_ =	swait.ge [sflag:s24], $0x1  }
0x1b: {  	[sflag:s24] =	ssyncset.done $0x0  }
0x1c: {  	s26 =	simm.s32 $0x1B8E;
	s25 =	sld [smem:$0x3FFE];
	[sflag:s24] =	ssyncadd.s32 $0xFFFFFFFF  }
0x1d: {  	s27 =	simm.s32 $execute0_lowered;
	[smem:$0x3FD2] =	sst s26  }
0x1e: {  	s5 =	sshll.u32 s27, $0x1;
	_ =	strace $0x80000049;
	[dreg:$0x1] =	wrdreg $0xFFFFFFFF  }
0x1f: {  	s28 =	simm.s32 $_size_execute0_lowered;
	s3 =	sadd.s32 s3, s5;
	[dreg:$0x0] =	wrdreg $0x0  }
0x20: {  	s5 =	sshll.u32 s28, $0x1;
	[dreg:$0x2] =	wrdreg s3  }
0x21: {  	[dreg:$0x3] =	wrdreg s5  }
0x22: {  	[dreg:$0x4] =	wrdreg $0xC0  }
0x23: {  	_ =	task [dreg:s7], $0x5FFFF  }
0x24: {  	[dreg:$0x1] =	wrdreg $0xFFFFFFFF  }
0x25: {  	[dreg:$0x0] =	wrdreg $0x60  }
0x26: {  	[dreg:$0x2] =	wrdreg s25  }
0x27: {  	[dreg:$0x3] =	wrdreg s2  }
0x28: {  	[dreg:$0x4] =	wrdreg $0x9  }
0x29: {  	_ =	task.clear_ibuf [dreg:s7], $0x5FFFF;
	_ =	strace $0x90000049  }
0x2a: {  	s29 =	simm.s32 $0x9;
	_ =	strace $0x8000004B  }
0x2b: {  	_ =	swait.ge [sflag:s29], $0x1  }
0x2c: {  	[sflag:s29] =	ssyncadd.s32 $0xFFFFFFFF  }
0x2d: {  	_ =	strace $0x9000004B  }
0x2e: {  	_ =	sfence  }
0x2f: {  	s30 =	sld [smem:$0x0];
	_ =	sdelay $0x2  }
0x30: {  	s31 =	sshll.u32 s1, $0xD;
	s1 =	sshrl.u32 s1, $0x2  }
0x31: {  	s3 =	sand.u32 $0x4000, s31;
	s1 =	sadd.s32 s1, s30  }
0x32: {  	s0 =	sor.u32 s3, s0;
	s1 =	sshll.u32 s1, $0x11  }
0x33: {  	s0 =	sor.u32 s1, s0  }
0x34: {  	s0 =	sadd.s32 $0x8F2B, s0  }
0x35: {  	[sflag:s0] =	ssyncadd.remote.s32 $0x1  }
0x36: {  	_ =	sfence.sel $0xFFFF  }
0x37: {  	[dreg:$0x0] =	wrdreg $0xFFFFFFFF;
	(pc) =	sbr.abs _section_cstart, $3  }
0x38: {  	[dreg:$0x1] =	wrdreg $0xFFFFFFFF  }
0x39: {  	_ =	task.clear_ibuf [dreg:s7], $0x2FFFF;
	_ =	strace $0x9FFFFFFF  }
0x3a: {  	(tm) =	ssettm $0x7FFFFFFF  }
0x3b: {  	_ =	shalt  }
tec
execute0_lowered:
.L_overlay_start_1:
0x0: {  	(tag) =	ssettag $0x1  }
0x1: {  	s4 =	rddreg [dreg:$0x0]  }
0x2: {  	s0 =	stileid.u32;
	s2 =	rddreg [dreg:$0x1]  }
0x3: {  	s7 =	srdreg.scid;
	s8 =	simm.s32 $0x2;
	s17 =	simm.s32 $0x0  }
0x4: {  	s9 =	simm.s32 $0x8000;
	s19 =	simm.s32 $0x0;
	s18 =	simm.s32 $0x0  }
0x5: {  	s10 =	simm.s32 $0x0;
	s11 =	simm.s32 $0x0;
	s1 =	sshll.u32 s0, $0x7  }
0x6: {  	s12 =	simm.s32 $0x0;
	s14 =	simm.s32 $0x0;
	s3 =	sand.u32 $0x380, s1  }
0x7: {  	s16 =	simm.s32 $0x0;
	s7 =	sshll.u32 s7, $0x4;
	s5 =	ssub.s32 $0x400, s3  }
0x8: {  	s4 =	sadd.s32 $0x5DAE00, s4;
	s1 =	rddreg [dreg:$0x2];
	s6 =	sand.u32 $0x380, s5  }
0x9: {  	s7 =	sand.u32 $0x10, s7;
	p0 =	sne.s32 s6, $0x0;
	s6 =	simm.s32 $0x1  }
.Ltmp0:
0xa: {  	s5 =	sshrl.u32 s5, $0xA;
	s6 =	simm.s32 @!p0 $0x0;
	(pc) =	sbr.rel .LBB1_1-.Ltmp0, $4  }
0xb: {  	_ =	strace $0x8000004A;
	s7 =	sor.u32 s0, s7;
	s6 =	sadd.s32 s6, s5  }
0xc: {  	s7 =	sshrl.u32 s7, $0x3;
	s5 =	simm.s32 $0x1;
	s6 =	smul.u32 $0xD0, s6  }
0xd: {  	s15 =	smov.u32 s3;
	s13 =	smov.u32 s7;
	[sflag:s5] =	ssyncpa.u1 $0x0  }
0xe: {  	p0 =	por $0x0, $0x0;
	[sflag:s8] =	ssyncpa.u1 $0x0;
	s8 =	sor.u32 $0x1, s6  }
.LBB1_4:
0xf: {  	s22 =	sshll.u32 s10, $0xA;
	s23 =	sshll.u32 s12, $0x3  }
0x10: {  	p1 =	sgt.s32 s11, $0x19;
	s24 =	smov.u32 s11;
	s25 =	smov.u32 s10  }
0x11: {  	s26 =	sshra.s32 s10, $0x1F;
	s30 =	sshra.s32 s12, $0x1F;
	s31 =	sshra.s32 s11, $0x1F  }
0x12: {  	s22 =	sand.u32 $0x6000, s22;
	s23 =	sand.u32 $0x7C00, s23;
	s24 =	simm.s32 @!p1 $0x19  }
0x13: {  	p1 =	sgt.s32 s10, $0x1F;
	s29 =	sand.u32 s26, s10;
	s26 =	sand.u32 s30, s12  }
0x14: {  	s30 =	sshll.u32 s10, $0x7;
	s22 =	sadd.s32 s23, s22;
	s25 =	simm.s32 @!p1 $0x1F  }
0x15: {  	p1 =	sgt.s32 s12, $0x380;
	s23 =	ssub.s32 s25, s29;
	s25 =	smov.u32 s12  }
0x16: {  	s22 =	sshrl.u32 s22, $0x3;
	s27 =	sadd.s32 $0xFFFFFFE1, s23;
	s25 =	simm.s32 @!p1 $0x380  }
0x17: {  	s23 =	ssub.s32 $0x20, s23;
	p1 =	sgt.s32 s27, $0x0;
	s25 =	ssub.s32 s25, s26  }
0x18: {  	s26 =	sand.u32 $0x78, s12;
	s27 =	sand.u32 s31, s11;
	s31 =	smul.u32 $0x32000, s11  }
0x19: {  	s24 =	ssub.s32 s24, s27;
	s23 =	simm.s32 @p1 $0x0;
	s28 =	sadd.s32 $0xFFFFFC80, s25  }
0x1a: {  	s25 =	ssub.s32 $0x400, s25;
	p1 =	sgt.s32 s28, $0x7F;
	s29 =	ssub.s32 $0x1A, s24  }
0x1b: {  	s24 =	sadd.s32 $0xFFFFFFE7, s24;
	s27 =	smul.u32 $0x32, s29;
	s25 =	simm.s32 @p1 $0x0  }
0x1c: {  	p1 =	sgt.s32 s24, $0x0;
	s24 =	sand.u32 $0x380, s30;
	s23 =	smul.u32 s25, s23  }
0x1d: {  	s28 =	sand.u32 $0x7, s12;
	s24 =	sor.u32 s26, s24;
	s27 =	simm.s32 @p1 $0x0  }
0x1e: {  	[tilespmem:s21+$0x810 ss:$0x81] =	vst.msk $0xffff, v2;
	s25 =	sadd.s32 s2, s31;
	s24 =	sshrl.u32 s24, $0x3;
	s23 =	smul.u32 s27, s23  }
0x1f: {  	[tilespmem:s21+$0x1020 ss:$0x81] =	vst.msk $0xffff, v0;
	s22 =	sand.u32 $0xF80, s22;
	s29 =	sshll.u32 s28, $0x12;
	s24 =	sadd.s32 s24, s25  }
0x20: {  	[tilespmem:s21+$0x0 ss:$0x81] =	vst.msk $0xffff, v1;
	s31 =	sor.u32 $0x80, s29;
	s22 =	sadd.s32 s22, s24;
	s30 =	sand.u32 $0x3FFFFFFE, s23  }
0x21: {  	[hbm4b:s22+s31] =	stream.strided.scatter [tilespmem:s20], [sflag:$0x2], s30, s9, s31, $0x20;
	[tilespmem:$0x8080] =	vst v63  }
.LBB1_5:
0x22: {  	p1 =	slt.u32 s16, $0x2;
	s20 =	smov.u32 s19  }
0x23: {  	p2 =	sgt.s32 @!p1 s19, $0x19;
	s21 =	sshra.s32 @!p1 s19, $0x1F;
	s22 =	sshra.s32 @!p1 s17, $0x1F  }
0x24: {  	p2 =	por !p2, p1;
	s19 =	sand.u32 @!p1 s21, s19;
	s21 =	smov.u32 s17  }
0x25: {  	s20 =	simm.s32 @p2 $0x19;
	p2 =	sgt.s32 @!p1 s17, $0x1F;
	s17 =	sand.u32 @!p1 s22, s17  }
0x26: {  	s22 =	sshra.s32 @!p1 s18, $0x1F;
	s19 =	ssub.s32 @!p1 s20, s19;
	p2 =	por !p2, p1  }
0x27: {  	s20 =	sadd.s32 @!p1 $0xFFFFFFE7, s19;
	s21 =	simm.s32 @p2 $0x1F;
	p2 =	sgt.s32 @!p1 s18, $0x380  }
0x28: {  	s17 =	ssub.s32 @!p1 s21, s17;
	p2 =	por !p2, p1;
	s21 =	smov.u32 s18  }
0x29: {  	s18 =	sand.u32 @!p1 s22, s18;
	s22 =	sadd.s32 @!p1 $0xFFFFFFE1, s17;
	s21 =	simm.s32 @p2 $0x380  }
0x2a: {  	p2 =	sgt.s32 @!p1 s20, $0x0;
	p3 =	sgt.s32 @!p1 s22, $0x0;
	s18 =	ssub.s32 @!p1 s21, s18  }
0x2b: {  	s17 =	ssub.s32 @!p1 $0x20, s17;
	p3 =	por !p3, p1;
	s20 =	sadd.s32 @!p1 $0xFFFFFC80, s18  }
0x2c: {  	s17 =	simm.s32 @!p3 $0x0;
	p3 =	sgt.s32 @!p1 s20, $0x7F  }
0x2d: {  	s18 =	ssub.s32 @!p1 $0x400, s18;
	p3 =	por !p3, p1  }
0x2e: {  	s19 =	ssub.s32 @!p1 $0x1A, s19;
	s20 =	sadd.s32 $0x4, s13;
	s18 =	simm.s32 @!p3 $0x0  }
0x2f: {  	p3 =	sgt.s32 s20, $0x1F;
	s17 =	smul.u32 @!p1 s18, s17;
	s18 =	simm.s32 $0x1  }
0x30: {  	p0 =	por !p0, !p0;
	s19 =	smul.u32 @!p1 $0x32, s19;
	s18 =	simm.s32 @!p3 $0x0  }
0x31: {  	p2 =	por !p2, p1;
	s22 =	smov.u32 s15;
	s21 =	sadd.s32 s18, s14  }
0x32: {  	s19 =	simm.s32 @!p2 $0x0;
	s18 =	sadd.s32 $0x400, s15;
	p2 =	sgt.s32 s21, $0x19  }
0x33: {  	s23 =	simm.s32 @!p1 $0x2;
	s20 =	smov.u32 @p3 s7;
	s22 =	smov.u32 @p2 s18  }
0x34: {  	s17 =	smul.u32 @!p1 s19, s17;
	s21 =	simm.s32 @p2 $0x0;
	p2 =	sgt.s32 s22, $0x3FF  }
0x35: {  	s19 =	smov.u32 s11;
	s22 =	smov.u32 @p2 s3;
	p2 =	sne.s32 s16, s8  }
.Ltmp1:
0x36: {  	s11 =	smov.u32 s14;
	s17 =	sand.u32 @!p1 $0x3FFFFFFE, s17;
	(pc) =	sbr.rel @!p2 .LBB1_6-.Ltmp1, $4  }
0x37: {  	s18 =	smov.u32 s12;
	s12 =	smov.u32 s15;
	_ =	swait.ge @!p1 [sflag:s23], s17  }
0x38: {  	s24 =	ssub.s32 @!p1 $0x0, s17;
	s17 =	smov.u32 s10;
	s10 =	smov.u32 s13  }
0x39: {  	s13 =	smov.u32 s20;
	s14 =	smov.u32 s21;
	[sflag:s23] =	ssyncset.done @!p1 $0x0  }
0x3a: {  	s16 =	sadd.s32 $0x1, s16;
	[sflag:s23] =	ssyncadd.s32 @!p1 s24;
	s15 =	smov.u32 s22  }
.LBB1_1:
0x3b: {  	p1 =	sge.u32 s16, s6  }
0x3c: {  	s21 =	smul.u32 @!p1 $0x3400, s15  }
0x3d: {  	s31 =	sadd.s32 $0xFFFFFFFF, s16;
	s20 =	sxor.u32 @!p1 $0xFFFFFFFF, s16;
	s22 =	sshll.u32 @!p1 s14, $0x9  }
0x3e: {  	s23 =	sshll.u32 @!p1 s13, $0x4;
	s20 =	sshll.u32 @!p1 s20, $0xD;
	s21 =	sadd.s32 @!p1 s4, s21  }
0x3f: {  	s23 =	sand.u32 @!p1 $0x1F0, s23;
	s20 =	sand.u32 @!p1 $0x2000, s20;
	s21 =	sadd.s32 @!p1 s22, s21  }
0x40: {  	s22 =	simm.s32 @!p1 $0x40;
	s21 =	sadd.s32 @!p1 s23, s21;
	s23 =	simm.s32 @!p1 $0x1A000  }
0x41: {  	[tilespmem:s20], [sflag:$0x1] =	stream.strided.gather @!p1 [hbm4b:s21+s22], $0x2000, s23, s22, $0x38;
	[tilespmem:$0x8080] =	vst v63  }
0x42: {  	p1 =	sge.u32 s31, s6  }
.Ltmp2:
0x43: {  	_ = 	snop;
	(pc) =	sbr.rel @p1 .LBB1_5-.Ltmp2, $1  }
0x44: {  	_ =	sdelay $0x3  }
0x45: {  	s20 =	simm.s32 $0x1  }
0x46: {  	_ =	swait.ge [sflag:s5], $0x2000;
	s20 =	simm.s32 @!p0 $0x0  }
0x47: {  	[sflag:s5] =	ssyncset.done $0x0;
	s21 =	sshll.u32 s20, $0xD  }
0x48: {  	[sflag:s5] =	ssyncadd.s32 $0xFFFFE000;
	s24 =	sor.u32 $0x20, s21  }
0x49: {  	s20 =	smul.u32 $0x8100, s20;
	v3 =	vld [tilespmem:s24+$0x10]  }
0x4a: {  	s30 =	sand.u32 $0x1, s16;
	v2 =	vld [tilespmem:s24+$0xFFFFFFF0]  }
0x4b: {  	s21 =	smul.u32 $0x8100, s30;
	s20 =	sshrl.u32 s20, $0x2;
	v0 =	vld [tilespmem:s24+$0x0]  }
0x4c: {  	v1 =	vld [tilespmem:s24+$0xFFFFFFE0];
	s22 =	sor.u32 $0x4000, s20  }
0x4d: {  	s31 =	sshrl.u32 s21, $0x2;
	s21 =	sadd.s32 $0x0, s22  }
0x4e: {  	s23 =	simm.s32 $0x4;
	s24 =	sadd.s32 $0x40, s24;
	s20 =	sor.u32 $0x4000, s31;
	[tilespmem:s21+$0x1830 ss:$0x81] =	vst.msk $0xffff, v3  }
.LBB1_3:
0x4f: {  	v3 =	vld [tilespmem:s24+$0x10];
	p1 =	sne.s32 s23, $0x1FC;
	[tilespmem:s21+$0x810 ss:$0x81] =	vst.msk $0xffff, v2;
	s25 =	smov.u32 s23;
	s23 =	sadd.s32 $0x4, s23  }
.Ltmp3:
0x50: {  	v2 =	vld [tilespmem:s24+$0xFFFFFFF0];
	[tilespmem:s21+$0x1020 ss:$0x81] =	vst.msk $0xffff, v0;
	(pc) =	sbr.rel @p1 .LBB1_3-.Ltmp3, $4  }
0x51: {  	v0 =	vld [tilespmem:s24+$0x0];
	[tilespmem:s21+$0x0 ss:$0x81] =	vst.msk $0xffff, v1  }
0x52: {  	s21 =	sshra.s32 s25, $0x2;
	v1 =	vld [tilespmem:s24+$0xFFFFFFE0]  }
0x53: {  	s21 =	sadd.s32 s21, s22  }
0x54: {  	s24 =	sadd.s32 $0x40, s24;
	[tilespmem:s21+$0x1830 ss:$0x81] =	vst.msk $0xffff, v3  }
.Ltmp4:
0x55: {  	_ = 	snop;
	(pc) =	sbr.rel .LBB1_4-.Ltmp4, $1  }
0x56: {  	_ =	sdelay $0x3  }
.LBB1_6:
0x57: {  	_ =	sfence.sel $0x180000  }
0x58: {  	s2 =	simm.s32 $0x1;
	[bflag:$0x0] =	sbarrier.arrive $0xFFFF  }
0x59: {  	s31 =	simm.s32 $0x2;
	[sflag:s2] =	ssyncpa.u1 $0x1  }
0x5a: {  	[sflag:s31] =	ssyncpa.u1 $0x1  }
0x5b: {  	p0 =	sne.s32 s0, $0x0;
	_ =	strace $0x9000004A  }
0x5c: {  	s0 =	sadd.s32 @!p0 $0x100000, s1;
	[bflag:$0x2] =	sbarrier.arrive $0xFFFF  }
0x5d: {  	[sflag:s0] =	ssyncadd.tile.s32 @!p0 $0x1;
	_ =	shalt  }
.Lfunc_end1:
_tile_overlayer_lowered:
.L_overlay_start_2:
0x5e: {  	(tag) =	ssettag $0x2  }
0x5f: {  	s0 =	rddreg [dreg:$0x0];
	s2 =	stileid.u32  }
0x60: {  	s1 =	rddreg [dreg:$0x1];
	p0 =	sne.s32 s2, $0x0  }
0x61: {  	s3 =	rddreg [dreg:$0x2];
	[bflag:$0x3] =	sbarrier.arrive $0xFFFF;
	s2 =	simm.s32 @!p0 $0x1C01  }
0x62: {  	[timem:s3], [sflag:s2] =	dma.local @!p0 [hbm:s0], s1  }
0x63: {  	s0 =	simm.s32 @!p0 $0x1  }
0x64: {  	_ =	swait.ge @!p0 [sflag:s0], s1  }
0x65: {  	s1 =	ssub.s32 @!p0 $0x0, s1;
	[sflag:s0] =	ssyncset.done @!p0 $0x0  }
0x66: {  	[sflag:s0] =	ssyncadd.s32 @!p0 s1  }
0x67: {  	[bflag:$0x3] =	sbarrier.arrive $0xFFFF  }
0x68: {  	_ =	shalt  }

</sc_bundles>
